<compile_context>
chip_gen: v7x
topology: tpu7x:2x2x1
jax: 0.10.2.dev20260603
libtpu: 0.0.44.dev20260713+nightly
codegen_flags: <defaults>
</compile_context>

<pallas_src>
import functools

import jax
import jax.numpy as jnp
from jax import lax
from jax.experimental import pallas as pl
from jax.experimental.pallas import tpu as pltpu
from jax.experimental.pallas import tpu_sc as plsc

D_MODEL = 1024
DBLK = D_MODEL // 128
BATCH = 4
SEQ_LEN = 2048
OUT_LEN = SEQ_LEN + 1
SEQ_VOCAB = 30
NUM_WORKERS = 32
NREP = 32
ROWS_PER_WORKER = BATCH * SEQ_LEN // NUM_WORKERS
WORKERS_PER_BATCH = NUM_WORKERS // BATCH
TOKBLK = ROWS_PER_WORKER // 128
CHUNK = 32
NCHUNKS = ROWS_PER_WORKER // CHUNK
LANES = 16


def _encode(tok3, intensity_ids, seq_rep, int_pieces):
    mesh = plsc.VectorSubcoreMesh(core_axis_name="c", subcore_axis_name="s")

    @functools.partial(
        pl.kernel,
        mesh=mesh,
        out_type=jax.ShapeDtypeStruct((OUT_LEN, DBLK, BATCH, 128),
                                      jnp.float32),
        scratch_types=[
            pltpu.VMEM((TOKBLK, 128), jnp.int32),
            pltpu.VMEM((CHUNK, DBLK, 128), jnp.float32),
            pltpu.VMEM((CHUNK, DBLK, 128), jnp.float32),
            pltpu.VMEM((CHUNK, DBLK, 128), jnp.float32),
            pltpu.VMEM((LANES,), jnp.int32),
            pltpu.VMEM((2 * LANES,), jnp.int32),
            pltpu.VMEM((2 * LANES, 128), jnp.float32),
            pltpu.SemaphoreType.DMA,
            pltpu.SemaphoreType.DMA,
            pltpu.SemaphoreType.DMA,
            pltpu.SemaphoreType.DMA,
            pltpu.SemaphoreType.DMA,
            pltpu.SemaphoreType.DMA,
            pltpu.SemaphoreType.DMA,
        ],
    )
    def k(tok_hbm, iid_hbm, seqt_hbm, intt_hbm, out_hbm,
          idx_v, buf0, buf1, buf2, iidx_v, ipidx_v, ibuf,
          sem0, sem1, sem2, wsem0, wsem1, wsem2, isem):
        sid = lax.axis_index("s")
        wid = sid * 2 + lax.axis_index("c")
        b = wid // WORKERS_PER_BATCH
        part = wid % WORKERS_PER_BATCH
        dst_base = part * ROWS_PER_WORKER

        pltpu.sync_copy(tok_hbm.at[pl.ds(part * TOKBLK, TOKBLK), b, :],
                        idx_v)

        off = jnp.full((LANES,), SEQ_VOCAB, jnp.int32) * wid
        for r in range(TOKBLK):
            for c in range(128 // LANES):
                sl = pl.ds(c * LANES, LANES)
                idx_v[r, sl] = idx_v[r, sl] + off

        bufs = (buf0, buf1, buf2)
        sems = (sem0, sem1, sem2)
        wsems = (wsem0, wsem1, wsem2)

        def chunk_idx(j):
            return idx_v.at[j // 4, pl.ds((j % 4) * CHUNK, CHUNK)]

        def fire_gather(j):
            return pltpu.async_copy(seqt_hbm.at[chunk_idx(j)],
                                    bufs[j % 3], sems[j % 3])

        copies = [None] * NCHUNKS
        writes = [None] * NCHUNKS
        copies[0] = fire_gather(0)
        copies[1] = fire_gather(1)
        for j in range(NCHUNKS):
            if j + 2 < NCHUNKS:
                if j - 1 >= 0:
                    writes[j - 1].wait()
                copies[j + 2] = fire_gather(j + 2)
            copies[j].wait()
            writes[j] = pltpu.async_copy(
                bufs[j % 3],
                out_hbm.at[pl.ds(dst_base + j * CHUNK, CHUNK), :, b, :],
                wsems[j % 3])
        writes[NCHUNKS - 3].wait()
        writes[NCHUNKS - 2].wait()
        writes[NCHUNKS - 1].wait()

        @pl.when(wid < BATCH)
        def _():
            pltpu.sync_copy(iid_hbm, iidx_v.at[pl.ds(0, BATCH)])
            ids16 = iidx_v[pl.ds(0, LANES)]
            widvec = jnp.full((LANES,), 1, jnp.int32) * wid
            rid = lax.gather(
                ids16, widvec[:, None],
                dimension_numbers=lax.GatherDimensionNumbers(
                    offset_dims=(), collapsed_slice_dims=(0,),
                    start_index_map=(0,)),
                slice_sizes=(1,),
                mode=lax.GatherScatterMode.PROMISE_IN_BOUNDS)
            iv = lax.iota(jnp.int32, LANES) & (DBLK - 1)
            ipidx_v[pl.ds(0, LANES)] = (rid >> 3) * 64 + iv * 8 + (rid & 7)
            pltpu.async_copy(intt_hbm.at[ipidx_v.at[pl.ds(0, LANES)]],
                             ibuf.at[pl.ds(0, LANES)], isem).wait()
            pltpu.sync_copy(ibuf.at[pl.ds(0, DBLK)],
                            out_hbm.at[SEQ_LEN, :, wid, :])

    return k(tok3, intensity_ids, seq_rep, int_pieces)


def kernel(sequence_tokens, intensity_ids, seq_table, int_table):
    tok3 = (sequence_tokens.astype(jnp.int32)
            .reshape(BATCH, SEQ_LEN // 128, 128).transpose(1, 0, 2))
    int_pieces = (int_table.reshape(8, DBLK, DBLK, 128)
                  .transpose(0, 2, 1, 3).reshape(64 * DBLK, 128))
    seq_rep = jnp.tile(seq_table, (NREP, 1)).reshape(
        NREP * SEQ_VOCAB, DBLK, 128)
    out4 = _encode(tok3, intensity_ids.astype(jnp.int32), seq_rep,
                   int_pieces)
    return out4.transpose(2, 0, 1, 3).reshape(BATCH, OUT_LEN, D_MODEL)

# --- scband reference (transcript-rebuilt; emitter-appended) ---
"""Pipeline reference for scband-encode-inputs-26414048870666 (READ-ONLY COPY).

The authoritative reference and input builder live on the scoring server;
editing this copy changes nothing except your own understanding.
"""

import jax, jax.numpy as jnp
import numpy as np

D_MODEL = 1024
SEQ_VOCAB = 30
SEQUENCE_PAD_TOKEN = 1
NUM_INTENSITY_BIN = 64
INTENSITY_MASK_TOKEN = 63


def setup_inputs(seed: int = 0) -> dict:
    key = jax.random.key(seed)
    k1, k2, k3, k4 = jax.random.split(key, 4)
    sequence_tokens = jax.random.randint(k1, (4, 2048), 0, SEQ_VOCAB, dtype=jnp.int64 if jax.config.jax_enable_x64 else jnp.int32)
    intensity_ids = jax.random.randint(k2, (4,), 0, NUM_INTENSITY_BIN, dtype=jnp.int64 if jax.config.jax_enable_x64 else jnp.int32)
    seq_table = jax.random.normal(k3, (SEQ_VOCAB, D_MODEL), dtype=jnp.float32)
    int_table = jax.random.normal(k4, (NUM_INTENSITY_BIN, D_MODEL), dtype=jnp.float32)
    # nn.Embedding(padding_idx=...) initializes the padding row to zeros
    seq_table = seq_table.at[SEQUENCE_PAD_TOKEN].set(0.0)
    int_table = int_table.at[INTENSITY_MASK_TOKEN].set(0.0)
    return {
        "sequence_tokens": sequence_tokens,
        "intensity_ids": intensity_ids,
        "seq_table": seq_table,
        "int_table": int_table,
    }


def reference(sequence_tokens, intensity_ids, seq_table, int_table):
    # sequence_embed = self.sequence_embed(sequence_tokens)  -> [B, L, D]
    sequence_embed = jnp.take(seq_table, sequence_tokens, axis=0)
    # intensity_embed = self.intensity_embed(intensity_ids).unsqueeze(1) -> [B, 1, D]
    intensity_embed = jnp.take(int_table, intensity_ids, axis=0)[:, None, :]
    # concat along sequence dim -> [B, L+1, D]
    final_embedding = jnp.concatenate((sequence_embed, intensity_embed), axis=1)
    return final_embedding

if __name__ == "__main__":
    import jax
    _d = setup_inputs()
    print(jax.jit(kernel)(*tuple(_d.values())))

</pallas_src>

<mosaic_0001>
#map = affine_map<(d0, d1) -> (0, 0, 0)>
#map1 = affine_map<(d0, d1) -> (0)>
#map2 = affine_map<(d0, d1) -> (0, 0)>
#map3 = affine_map<(d0, d1) -> (0, 0, 0, 0)>
module attributes {stable_mosaic.version = 14 : i64} {
  func.func @k(%arg0: i32, %arg1: i32, %arg2: memref<16x4x128xi32, #tpu.memory_space<hbm>>, %arg3: memref<4xi32, #tpu.memory_space<hbm>>, %arg4: memref<960x8x128xf32, #tpu.memory_space<hbm>>, %arg5: memref<512x128xf32, #tpu.memory_space<hbm>>, %arg6: memref<2049x8x4x128xf32, #tpu.memory_space<hbm>>, %arg7: memref<2x128xi32, #tpu.memory_space<vmem>>, %arg8: memref<32x8x128xf32, #tpu.memory_space<vmem>>, %arg9: memref<32x8x128xf32, #tpu.memory_space<vmem>>, %arg10: memref<32x8x128xf32, #tpu.memory_space<vmem>>, %arg11: memref<16xi32, #tpu.memory_space<vmem>>, %arg12: memref<32xi32, #tpu.memory_space<vmem>>, %arg13: memref<32x128xf32, #tpu.memory_space<vmem>>, %arg14: memref<!tpu.dma_semaphore, #tpu.memory_space<semaphore_mem>>, %arg15: memref<!tpu.dma_semaphore, #tpu.memory_space<semaphore_mem>>, %arg16: memref<!tpu.dma_semaphore, #tpu.memory_space<semaphore_mem>>, %arg17: memref<!tpu.dma_semaphore, #tpu.memory_space<semaphore_mem>>, %arg18: memref<!tpu.dma_semaphore, #tpu.memory_space<semaphore_mem>>, %arg19: memref<!tpu.dma_semaphore, #tpu.memory_space<semaphore_mem>>, %arg20: memref<!tpu.dma_semaphore, #tpu.memory_space<semaphore_mem>>) attributes {dimension_semantics = [#tpu.dimension_semantics<core_parallel>, #tpu.dimension_semantics<subcore_parallel>], iteration_bounds = array<i64: 2, 16>, scalar_prefetch = 0 : i64, scratch_operands = 14 : i64, tpu.core_type = #tpu.core_type<sc_vector_subcore>, window_params = [{transform_indices = #map}, {transform_indices = #map1}, {transform_indices = #map}, {transform_indices = #map2}, {transform_indices = #map3}]} {
    %mul3A = arith.constant 2 : i32
    %mul3A_0 = arith.muli %arg1, %mul3A : i32
    %add3A = arith.addi %mul3A_0, %arg0 : i32
    %jit3A = arith.constant 8 : i32
    %div3A = arith.divsi %add3A, %jit3A : i32
    %sign3A = arith.constant 0 : i32
    %sign3A_1 = arith.cmpi sgt, %add3A, %sign3A : i32
    %sign3A_2 = arith.extui %sign3A_1 : i1 to i32
    %sign3A_3 = arith.constant 0 : i32
    %sign3A_4 = arith.cmpi slt, %add3A, %sign3A_3 : i32
    %sign3A_5 = arith.extui %sign3A_4 : i1 to i32
    %sign3A_6 = arith.subi %sign3A_2, %sign3A_5 : i32
    %sign3A_7 = arith.constant 0 : i32
    %sign3A_8 = arith.cmpi sgt, %jit3A, %sign3A_7 : i32
    %sign3A_9 = arith.extui %sign3A_8 : i1 to i32
    %sign3A_10 = arith.constant 0 : i32
    %sign3A_11 = arith.cmpi slt, %jit3A, %sign3A_10 : i32
    %sign3A_12 = arith.extui %sign3A_11 : i1 to i32
    %sign3A_13 = arith.subi %sign3A_9, %sign3A_12 : i32
    %ne3A = arith.cmpi ne, %sign3A_6, %sign3A_13 : i32
    %rem3A = arith.remsi %add3A, %jit3A : i32
    %ne3A_14 = arith.constant 0 : i32
    %ne3A_15 = arith.cmpi ne, %rem3A, %ne3A_14 : i32
    %and3A = arith.andi %ne3A, %ne3A_15 : i1
    %sub3A = arith.constant 1 : i32
    %sub3A_16 = arith.subi %div3A, %sub3A : i32
    %select_n3A = arith.select %and3A, %sub3A_16, %div3A : i32
    %jit3A_17 = arith.constant 8 : i32
    %eq3A = arith.constant 0 : i32
    %eq3A_18 = arith.cmpi eq, %jit3A_17, %eq3A : i32
    %jit3A_19 = arith.constant 1 : i32
    %select_n3A_20 = arith.select %eq3A_18, %jit3A_19, %jit3A_17 : i32
    %rem3A_21 = arith.remsi %add3A, %select_n3A_20 : i32
    %ne3A_22 = arith.constant 0 : i32
    %ne3A_23 = arith.cmpi ne, %rem3A_21, %ne3A_22 : i32
    %lt3A = arith.constant 0 : i32
    %lt3A_24 = arith.cmpi slt, %rem3A_21, %lt3A : i32
    %lt3A_25 = arith.constant 0 : i32
    %lt3A_26 = arith.cmpi slt, %select_n3A_20, %lt3A_25 : i32
    %ne3A_27 = arith.xori %lt3A_24, %lt3A_26 : i1
    %and3A_28 = arith.andi %ne3A_27, %ne3A_23 : i1
    %add3A_29 = arith.addi %rem3A_21, %select_n3A_20 : i32
    %select_n3A_30 = arith.select %and3A_28, %add3A_29, %rem3A_21 : i32
    %mul3A_31 = arith.constant 256 : i32
    %mul3A_32 = arith.muli %select_n3A_30, %mul3A_31 : i32
    %mul3A_33 = arith.constant 2 : i32
    %mul3A_34 = arith.muli %select_n3A_30, %mul3A_33 : i32
    "tpu.region"() ({
      %run_scoped3A = tpu.sem_alloc : memref<!tpu.dma_semaphore, #tpu.memory_space<semaphore_mem>>
      %dma_start3A_501 = arith.constant 0 : i32
      %dma_start3A_502 = tpu.memref_slice %arg2[%mul3A_34, %select_n3A, %dma_start3A_501] : memref<16x4x128xi32, #tpu.memory_space<hbm>> -> memref<2x1x128xi32, #tpu.memory_space<hbm>>
      %dma_start3A_503 = tpu.memref_squeeze %dma_start3A_502 : memref<2x1x128xi32, #tpu.memory_space<hbm>> -> memref<2x128xi32, #tpu.memory_space<hbm>>
      %dma_start3A_504 = arith.constant 0 : i32
      %dma_start3A_505 = tpu.memref_slice %arg2[%mul3A_34, %select_n3A, %dma_start3A_504] : memref<16x4x128xi32, #tpu.memory_space<hbm>> -> memref<2x1x128xi32, #tpu.memory_space<hbm>>
      %dma_start3A_506 = tpu.memref_squeeze %dma_start3A_505 : memref<2x1x128xi32, #tpu.memory_space<hbm>> -> memref<2x128xi32, #tpu.memory_space<hbm>>
      tpu.enqueue_dma source(%dma_start3A_506 : memref<2x128xi32, #tpu.memory_space<hbm>>) target(%arg7 : memref<2x128xi32, #tpu.memory_space<vmem>>) target_semaphore(%run_scoped3A : memref<!tpu.dma_semaphore, #tpu.memory_space<semaphore_mem>>)
      %dma_wait3A_507 = arith.constant 0 : i32
      %dma_wait3A_508 = tpu.memref_slice %arg2[%mul3A_34, %select_n3A, %dma_wait3A_507] : memref<16x4x128xi32, #tpu.memory_space<hbm>> -> memref<2x1x128xi32, #tpu.memory_space<hbm>>
      %dma_wait3A_509 = tpu.memref_squeeze %dma_wait3A_508 : memref<2x1x128xi32, #tpu.memory_space<hbm>> -> memref<2x128xi32, #tpu.memory_space<hbm>>
      %dma_wait3A_510 = arith.constant 0 : i32
      %dma_wait3A_511 = tpu.memref_slice %arg2[%mul3A_34, %select_n3A, %dma_wait3A_510] : memref<16x4x128xi32, #tpu.memory_space<hbm>> -> memref<2x1x128xi32, #tpu.memory_space<hbm>>
      %dma_wait3A_512 = tpu.memref_squeeze %dma_wait3A_511 : memref<2x1x128xi32, #tpu.memory_space<hbm>> -> memref<2x128xi32, #tpu.memory_space<hbm>>
      tpu.wait_dma2 semaphore(%run_scoped3A : memref<!tpu.dma_semaphore, #tpu.memory_space<semaphore_mem>>) src(%dma_wait3A_512 : memref<2x128xi32, #tpu.memory_space<hbm>>) dst(%arg7 : memref<2x128xi32, #tpu.memory_space<vmem>>)
      tpu.yield
    }) : () -> ()
    %broadcast_in_dim3A = arith.constant 30 : i32
    %broadcast_in_dim3A_35 = vector.broadcast %broadcast_in_dim3A : i32 to vector<16xi32>
    %mul3A_36 = vector.broadcast %add3A : i32 to vector<16xi32>
    %mul3A_37 = arith.muli %broadcast_in_dim3A_35, %mul3A_36 : vector<16xi32>
    %get3A = arith.constant 0 : i32
    %get3A_38 = arith.index_cast %get3A : i32 to index
    %get3A_39 = arith.constant 0 : index
    %get3A_40 = tpu.vector_load %arg7[%get3A_38, %get3A_39] {strides = array<i32>} : memref<2x128xi32, #tpu.memory_space<vmem>>, vector<1x16xi32>,
    %get3A_41 = vector.shape_cast %get3A_40 : vector<1x16xi32> to vector<16xi32>
    %add3A_42 = arith.addi %get3A_41, %mul3A_37 : vector<16xi32>
    %swap3A = arith.constant 0 : i32
    %swap3A_43 = arith.index_cast %swap3A : i32 to index
    %swap3A_44 = arith.constant 0 : index
    %swap3A_45 = tpu.vector_load %arg7[%swap3A_43, %swap3A_44] {strides = array<i32>} : memref<2x128xi32, #tpu.memory_space<vmem>>, vector<1x16xi32>,
    %swap3A_46 = vector.shape_cast %swap3A_45 : vector<1x16xi32> to vector<16xi32>
    %swap3A_47 = vector.shape_cast %add3A_42 : vector<16xi32> to vector<1x16xi32>
    tpu.vector_store %arg7[%swap3A_43, %swap3A_44], %swap3A_47 {strides = array<i32>} : memref<2x128xi32, #tpu.memory_space<vmem>>, vector<1x16xi32>,
    %get3A_48 = arith.constant 0 : i32
    %get3A_49 = arith.index_cast %get3A_48 : i32 to index
    %get3A_50 = arith.constant 16 : index
    %get3A_51 = tpu.vector_load %arg7[%get3A_49, %get3A_50] {strides = array<i32>} : memref<2x128xi32, #tpu.memory_space<vmem>>, vector<1x16xi32>,
    %get3A_52 = vector.shape_cast %get3A_51 : vector<1x16xi32> to vector<16xi32>
    %add3A_53 = arith.addi %get3A_52, %mul3A_37 : vector<16xi32>
    %swap3A_54 = arith.constant 0 : i32
    %swap3A_55 = arith.index_cast %swap3A_54 : i32 to index
    %swap3A_56 = arith.constant 16 : index
    %swap3A_57 = tpu.vector_load %arg7[%swap3A_55, %swap3A_56] {strides = array<i32>} : memref<2x128xi32, #tpu.memory_space<vmem>>, vector<1x16xi32>,
    %swap3A_58 = vector.shape_cast %swap3A_57 : vector<1x16xi32> to vector<16xi32>
    %swap3A_59 = vector.shape_cast %add3A_53 : vector<16xi32> to vector<1x16xi32>
    tpu.vector_store %arg7[%swap3A_55, %swap3A_56], %swap3A_59 {strides = array<i32>} : memref<2x128xi32, #tpu.memory_space<vmem>>, vector<1x16xi32>,
    %get3A_60 = arith.constant 0 : i32
    %get3A_61 = arith.index_cast %get3A_60 : i32 to index
    %get3A_62 = arith.constant 32 : index
    %get3A_63 = tpu.vector_load %arg7[%get3A_61, %get3A_62] {strides = array<i32>} : memref<2x128xi32, #tpu.memory_space<vmem>>, vector<1x16xi32>,
    %get3A_64 = vector.shape_cast %get3A_63 : vector<1x16xi32> to vector<16xi32>
    %add3A_65 = arith.addi %get3A_64, %mul3A_37 : vector<16xi32>
    %swap3A_66 = arith.constant 0 : i32
    %swap3A_67 = arith.index_cast %swap3A_66 : i32 to index
    %swap3A_68 = arith.constant 32 : index
    %swap3A_69 = tpu.vector_load %arg7[%swap3A_67, %swap3A_68] {strides = array<i32>} : memref<2x128xi32, #tpu.memory_space<vmem>>, vector<1x16xi32>,
    %swap3A_70 = vector.shape_cast %swap3A_69 : vector<1x16xi32> to vector<16xi32>
    %swap3A_71 = vector.shape_cast %add3A_65 : vector<16xi32> to vector<1x16xi32>
    tpu.vector_store %arg7[%swap3A_67, %swap3A_68], %swap3A_71 {strides = array<i32>} : memref<2x128xi32, #tpu.memory_space<vmem>>, vector<1x16xi32>,
    %get3A_72 = arith.constant 0 : i32
    %get3A_73 = arith.index_cast %get3A_72 : i32 to index
    %get3A_74 = arith.constant 48 : index
    %get3A_75 = tpu.vector_load %arg7[%get3A_73, %get3A_74] {strides = array<i32>} : memref<2x128xi32, #tpu.memory_space<vmem>>, vector<1x16xi32>,
    %get3A_76 = vector.shape_cast %get3A_75 : vector<1x16xi32> to vector<16xi32>
    %add3A_77 = arith.addi %get3A_76, %mul3A_37 : vector<16xi32>
    %swap3A_78 = arith.constant 0 : i32
    %swap3A_79 = arith.index_cast %swap3A_78 : i32 to index
    %swap3A_80 = arith.constant 48 : index
    %swap3A_81 = tpu.vector_load %arg7[%swap3A_79, %swap3A_80] {strides = array<i32>} : memref<2x128xi32, #tpu.memory_space<vmem>>, vector<1x16xi32>,
    %swap3A_82 = vector.shape_cast %swap3A_81 : vector<1x16xi32> to vector<16xi32>
    %swap3A_83 = vector.shape_cast %add3A_77 : vector<16xi32> to vector<1x16xi32>
    tpu.vector_store %arg7[%swap3A_79, %swap3A_80], %swap3A_83 {strides = array<i32>} : memref<2x128xi32, #tpu.memory_space<vmem>>, vector<1x16xi32>,
    %get3A_84 = arith.constant 0 : i32
    %get3A_85 = arith.index_cast %get3A_84 : i32 to index
    %get3A_86 = arith.constant 64 : index
    %get3A_87 = tpu.vector_load %arg7[%get3A_85, %get3A_86] {strides = array<i32>} : memref<2x128xi32, #tpu.memory_space<vmem>>, vector<1x16xi32>,
    %get3A_88 = vector.shape_cast %get3A_87 : vector<1x16xi32> to vector<16xi32>
    %add3A_89 = arith.addi %get3A_88, %mul3A_37 : vector<16xi32>
    %swap3A_90 = arith.constant 0 : i32
    %swap3A_91 = arith.index_cast %swap3A_90 : i32 to index
    %swap3A_92 = arith.constant 64 : index
    %swap3A_93 = tpu.vector_load %arg7[%swap3A_91, %swap3A_92] {strides = array<i32>} : memref<2x128xi32, #tpu.memory_space<vmem>>, vector<1x16xi32>,
    %swap3A_94 = vector.shape_cast %swap3A_93 : vector<1x16xi32> to vector<16xi32>
    %swap3A_95 = vector.shape_cast %add3A_89 : vector<16xi32> to vector<1x16xi32>
    tpu.vector_store %arg7[%swap3A_91, %swap3A_92], %swap3A_95 {strides = array<i32>} : memref<2x128xi32, #tpu.memory_space<vmem>>, vector<1x16xi32>,
    %get3A_96 = arith.constant 0 : i32
    %get3A_97 = arith.index_cast %get3A_96 : i32 to index
    %get3A_98 = arith.constant 80 : index
    %get3A_99 = tpu.vector_load %arg7[%get3A_97, %get3A_98] {strides = array<i32>} : memref<2x128xi32, #tpu.memory_space<vmem>>, vector<1x16xi32>,
    %get3A_100 = vector.shape_cast %get3A_99 : vector<1x16xi32> to vector<16xi32>
    %add3A_101 = arith.addi %get3A_100, %mul3A_37 : vector<16xi32>
    %swap3A_102 = arith.constant 0 : i32
    %swap3A_103 = arith.index_cast %swap3A_102 : i32 to index
    %swap3A_104 = arith.constant 80 : index
    %swap3A_105 = tpu.vector_load %arg7[%swap3A_103, %swap3A_104] {strides = array<i32>} : memref<2x128xi32, #tpu.memory_space<vmem>>, vector<1x16xi32>,
    %swap3A_106 = vector.shape_cast %swap3A_105 : vector<1x16xi32> to vector<16xi32>
    %swap3A_107 = vector.shape_cast %add3A_101 : vector<16xi32> to vector<1x16xi32>
    tpu.vector_store %arg7[%swap3A_103, %swap3A_104], %swap3A_107 {strides = array<i32>} : memref<2x128xi32, #tpu.memory_space<vmem>>, vector<1x16xi32>,
    %get3A_108 = arith.constant 0 : i32
    %get3A_109 = arith.index_cast %get3A_108 : i32 to index
    %get3A_110 = arith.constant 96 : index
    %get3A_111 = tpu.vector_load %arg7[%get3A_109, %get3A_110] {strides = array<i32>} : memref<2x128xi32, #tpu.memory_space<vmem>>, vector<1x16xi32>,
    %get3A_112 = vector.shape_cast %get3A_111 : vector<1x16xi32> to vector<16xi32>
    %add3A_113 = arith.addi %get3A_112, %mul3A_37 : vector<16xi32>
    %swap3A_114 = arith.constant 0 : i32
    %swap3A_115 = arith.index_cast %swap3A_114 : i32 to index
    %swap3A_116 = arith.constant 96 : index
    %swap3A_117 = tpu.vector_load %arg7[%swap3A_115, %swap3A_116] {strides = array<i32>} : memref<2x128xi32, #tpu.memory_space<vmem>>, vector<1x16xi32>,
    %swap3A_118 = vector.shape_cast %swap3A_117 : vector<1x16xi32> to vector<16xi32>
    %swap3A_119 = vector.shape_cast %add3A_113 : vector<16xi32> to vector<1x16xi32>
    tpu.vector_store %arg7[%swap3A_115, %swap3A_116], %swap3A_119 {strides = array<i32>} : memref<2x128xi32, #tpu.memory_space<vmem>>, vector<1x16xi32>,
    %get3A_120 = arith.constant 0 : i32
    %get3A_121 = arith.index_cast %get3A_120 : i32 to index
    %get3A_122 = arith.constant 112 : index
    %get3A_123 = tpu.vector_load %arg7[%get3A_121, %get3A_122] {strides = array<i32>} : memref<2x128xi32, #tpu.memory_space<vmem>>, vector<1x16xi32>,
    %get3A_124 = vector.shape_cast %get3A_123 : vector<1x16xi32> to vector<16xi32>
    %add3A_125 = arith.addi %get3A_124, %mul3A_37 : vector<16xi32>
    %swap3A_126 = arith.constant 0 : i32
    %swap3A_127 = arith.index_cast %swap3A_126 : i32 to index
    %swap3A_128 = arith.constant 112 : index
    %swap3A_129 = tpu.vector_load %arg7[%swap3A_127, %swap3A_128] {strides = array<i32>} : memref<2x128xi32, #tpu.memory_space<vmem>>, vector<1x16xi32>,
    %swap3A_130 = vector.shape_cast %swap3A_129 : vector<1x16xi32> to vector<16xi32>
    %swap3A_131 = vector.shape_cast %add3A_125 : vector<16xi32> to vector<1x16xi32>
    tpu.vector_store %arg7[%swap3A_127, %swap3A_128], %swap3A_131 {strides = array<i32>} : memref<2x128xi32, #tpu.memory_space<vmem>>, vector<1x16xi32>,
    %get3A_132 = arith.constant 1 : i32
    %get3A_133 = arith.index_cast %get3A_132 : i32 to index
    %get3A_134 = arith.constant 0 : index
    %get3A_135 = tpu.vector_load %arg7[%get3A_133, %get3A_134] {strides = array<i32>} : memref<2x128xi32, #tpu.memory_space<vmem>>, vector<1x16xi32>,
    %get3A_136 = vector.shape_cast %get3A_135 : vector<1x16xi32> to vector<16xi32>
    %add3A_137 = arith.addi %get3A_136, %mul3A_37 : vector<16xi32>
    %swap3A_138 = arith.constant 1 : i32
    %swap3A_139 = arith.index_cast %swap3A_138 : i32 to index
    %swap3A_140 = arith.constant 0 : index
    %swap3A_141 = tpu.vector_load %arg7[%swap3A_139, %swap3A_140] {strides = array<i32>} : memref<2x128xi32, #tpu.memory_space<vmem>>, vector<1x16xi32>,
    %swap3A_142 = vector.shape_cast %swap3A_141 : vector<1x16xi32> to vector<16xi32>
    %swap3A_143 = vector.shape_cast %add3A_137 : vector<16xi32> to vector<1x16xi32>
    tpu.vector_store %arg7[%swap3A_139, %swap3A_140], %swap3A_143 {strides = array<i32>} : memref<2x128xi32, #tpu.memory_space<vmem>>, vector<1x16xi32>,
    %get3A_144 = arith.constant 1 : i32
    %get3A_145 = arith.index_cast %get3A_144 : i32 to index
    %get3A_146 = arith.constant 16 : index
    %get3A_147 = tpu.vector_load %arg7[%get3A_145, %get3A_146] {strides = array<i32>} : memref<2x128xi32, #tpu.memory_space<vmem>>, vector<1x16xi32>,
    %get3A_148 = vector.shape_cast %get3A_147 : vector<1x16xi32> to vector<16xi32>
    %add3A_149 = arith.addi %get3A_148, %mul3A_37 : vector<16xi32>
    %swap3A_150 = arith.constant 1 : i32
    %swap3A_151 = arith.index_cast %swap3A_150 : i32 to index
    %swap3A_152 = arith.constant 16 : index
    %swap3A_153 = tpu.vector_load %arg7[%swap3A_151, %swap3A_152] {strides = array<i32>} : memref<2x128xi32, #tpu.memory_space<vmem>>, vector<1x16xi32>,
    %swap3A_154 = vector.shape_cast %swap3A_153 : vector<1x16xi32> to vector<16xi32>
    %swap3A_155 = vector.shape_cast %add3A_149 : vector<16xi32> to vector<1x16xi32>
    tpu.vector_store %arg7[%swap3A_151, %swap3A_152], %swap3A_155 {strides = array<i32>} : memref<2x128xi32, #tpu.memory_space<vmem>>, vector<1x16xi32>,
    %get3A_156 = arith.constant 1 : i32
    %get3A_157 = arith.index_cast %get3A_156 : i32 to index
    %get3A_158 = arith.constant 32 : index
    %get3A_159 = tpu.vector_load %arg7[%get3A_157, %get3A_158] {strides = array<i32>} : memref<2x128xi32, #tpu.memory_space<vmem>>, vector<1x16xi32>,
    %get3A_160 = vector.shape_cast %get3A_159 : vector<1x16xi32> to vector<16xi32>
    %add3A_161 = arith.addi %get3A_160, %mul3A_37 : vector<16xi32>
    %swap3A_162 = arith.constant 1 : i32
    %swap3A_163 = arith.index_cast %swap3A_162 : i32 to index
    %swap3A_164 = arith.constant 32 : index
    %swap3A_165 = tpu.vector_load %arg7[%swap3A_163, %swap3A_164] {strides = array<i32>} : memref<2x128xi32, #tpu.memory_space<vmem>>, vector<1x16xi32>,
    %swap3A_166 = vector.shape_cast %swap3A_165 : vector<1x16xi32> to vector<16xi32>
    %swap3A_167 = vector.shape_cast %add3A_161 : vector<16xi32> to vector<1x16xi32>
    tpu.vector_store %arg7[%swap3A_163, %swap3A_164], %swap3A_167 {strides = array<i32>} : memref<2x128xi32, #tpu.memory_space<vmem>>, vector<1x16xi32>,
    %get3A_168 = arith.constant 1 : i32
    %get3A_169 = arith.index_cast %get3A_168 : i32 to index
    %get3A_170 = arith.constant 48 : index
    %get3A_171 = tpu.vector_load %arg7[%get3A_169, %get3A_170] {strides = array<i32>} : memref<2x128xi32, #tpu.memory_space<vmem>>, vector<1x16xi32>,
    %get3A_172 = vector.shape_cast %get3A_171 : vector<1x16xi32> to vector<16xi32>
    %add3A_173 = arith.addi %get3A_172, %mul3A_37 : vector<16xi32>
    %swap3A_174 = arith.constant 1 : i32
    %swap3A_175 = arith.index_cast %swap3A_174 : i32 to index
    %swap3A_176 = arith.constant 48 : index
    %swap3A_177 = tpu.vector_load %arg7[%swap3A_175, %swap3A_176] {strides = array<i32>} : memref<2x128xi32, #tpu.memory_space<vmem>>, vector<1x16xi32>,
    %swap3A_178 = vector.shape_cast %swap3A_177 : vector<1x16xi32> to vector<16xi32>
    %swap3A_179 = vector.shape_cast %add3A_173 : vector<16xi32> to vector<1x16xi32>
    tpu.vector_store %arg7[%swap3A_175, %swap3A_176], %swap3A_179 {strides = array<i32>} : memref<2x128xi32, #tpu.memory_space<vmem>>, vector<1x16xi32>,
    %get3A_180 = arith.constant 1 : i32
    %get3A_181 = arith.index_cast %get3A_180 : i32 to index
    %get3A_182 = arith.constant 64 : index
    %get3A_183 = tpu.vector_load %arg7[%get3A_181, %get3A_182] {strides = array<i32>} : memref<2x128xi32, #tpu.memory_space<vmem>>, vector<1x16xi32>,
    %get3A_184 = vector.shape_cast %get3A_183 : vector<1x16xi32> to vector<16xi32>
    %add3A_185 = arith.addi %get3A_184, %mul3A_37 : vector<16xi32>
    %swap3A_186 = arith.constant 1 : i32
    %swap3A_187 = arith.index_cast %swap3A_186 : i32 to index
    %swap3A_188 = arith.constant 64 : index
    %swap3A_189 = tpu.vector_load %arg7[%swap3A_187, %swap3A_188] {strides = array<i32>} : memref<2x128xi32, #tpu.memory_space<vmem>>, vector<1x16xi32>,
    %swap3A_190 = vector.shape_cast %swap3A_189 : vector<1x16xi32> to vector<16xi32>
    %swap3A_191 = vector.shape_cast %add3A_185 : vector<16xi32> to vector<1x16xi32>
    tpu.vector_store %arg7[%swap3A_187, %swap3A_188], %swap3A_191 {strides = array<i32>} : memref<2x128xi32, #tpu.memory_space<vmem>>, vector<1x16xi32>,
    %get3A_192 = arith.constant 1 : i32
    %get3A_193 = arith.index_cast %get3A_192 : i32 to index
    %get3A_194 = arith.constant 80 : index
    %get3A_195 = tpu.vector_load %arg7[%get3A_193, %get3A_194] {strides = array<i32>} : memref<2x128xi32, #tpu.memory_space<vmem>>, vector<1x16xi32>,
    %get3A_196 = vector.shape_cast %get3A_195 : vector<1x16xi32> to vector<16xi32>
    %add3A_197 = arith.addi %get3A_196, %mul3A_37 : vector<16xi32>
    %swap3A_198 = arith.constant 1 : i32
    %swap3A_199 = arith.index_cast %swap3A_198 : i32 to index
    %swap3A_200 = arith.constant 80 : index
    %swap3A_201 = tpu.vector_load %arg7[%swap3A_199, %swap3A_200] {strides = array<i32>} : memref<2x128xi32, #tpu.memory_space<vmem>>, vector<1x16xi32>,
    %swap3A_202 = vector.shape_cast %swap3A_201 : vector<1x16xi32> to vector<16xi32>
    %swap3A_203 = vector.shape_cast %add3A_197 : vector<16xi32> to vector<1x16xi32>
    tpu.vector_store %arg7[%swap3A_199, %swap3A_200], %swap3A_203 {strides = array<i32>} : memref<2x128xi32, #tpu.memory_space<vmem>>, vector<1x16xi32>,
    %get3A_204 = arith.constant 1 : i32
    %get3A_205 = arith.index_cast %get3A_204 : i32 to index
    %get3A_206 = arith.constant 96 : index
    %get3A_207 = tpu.vector_load %arg7[%get3A_205, %get3A_206] {strides = array<i32>} : memref<2x128xi32, #tpu.memory_space<vmem>>, vector<1x16xi32>,
    %get3A_208 = vector.shape_cast %get3A_207 : vector<1x16xi32> to vector<16xi32>
    %add3A_209 = arith.addi %get3A_208, %mul3A_37 : vector<16xi32>
    %swap3A_210 = arith.constant 1 : i32
    %swap3A_211 = arith.index_cast %swap3A_210 : i32 to index
    %swap3A_212 = arith.constant 96 : index
    %swap3A_213 = tpu.vector_load %arg7[%swap3A_211, %swap3A_212] {strides = array<i32>} : memref<2x128xi32, #tpu.memory_space<vmem>>, vector<1x16xi32>,
    %swap3A_214 = vector.shape_cast %swap3A_213 : vector<1x16xi32> to vector<16xi32>
    %swap3A_215 = vector.shape_cast %add3A_209 : vector<16xi32> to vector<1x16xi32>
    tpu.vector_store %arg7[%swap3A_211, %swap3A_212], %swap3A_215 {strides = array<i32>} : memref<2x128xi32, #tpu.memory_space<vmem>>, vector<1x16xi32>,
    %get3A_216 = arith.constant 1 : i32
    %get3A_217 = arith.index_cast %get3A_216 : i32 to index
    %get3A_218 = arith.constant 112 : index
    %get3A_219 = tpu.vector_load %arg7[%get3A_217, %get3A_218] {strides = array<i32>} : memref<2x128xi32, #tpu.memory_space<vmem>>, vector<1x16xi32>,
    %get3A_220 = vector.shape_cast %get3A_219 : vector<1x16xi32> to vector<16xi32>
    %add3A_221 = arith.addi %get3A_220, %mul3A_37 : vector<16xi32>
    %swap3A_222 = arith.constant 1 : i32
    %swap3A_223 = arith.index_cast %swap3A_222 : i32 to index
    %swap3A_224 = arith.constant 112 : index
    %swap3A_225 = tpu.vector_load %arg7[%swap3A_223, %swap3A_224] {strides = array<i32>} : memref<2x128xi32, #tpu.memory_space<vmem>>, vector<1x16xi32>,
    %swap3A_226 = vector.shape_cast %swap3A_225 : vector<1x16xi32> to vector<16xi32>
    %swap3A_227 = vector.shape_cast %add3A_221 : vector<16xi32> to vector<1x16xi32>
    tpu.vector_store %arg7[%swap3A_223, %swap3A_224], %swap3A_227 {strides = array<i32>} : memref<2x128xi32, #tpu.memory_space<vmem>>, vector<1x16xi32>,
    %dma_start3A = arith.constant 0 : i32
    %dma_start3A_228 = arith.constant 0 : i32
    %dma_start3A_229 = tpu.memref_slice %arg7[%dma_start3A, %dma_start3A_228] : memref<2x128xi32, #tpu.memory_space<vmem>> -> memref<1x32xi32, #tpu.memory_space<vmem>>
    %dma_start3A_230 = tpu.memref_squeeze %dma_start3A_229 : memref<1x32xi32, #tpu.memory_space<vmem>> -> memref<32xi32, #tpu.memory_space<vmem>>
    %dma_start3A_231 = arith.constant 0 : i32
    %dma_start3A_232 = arith.constant 0 : i32
    %dma_start3A_233 = arith.constant 0 : i32
    %dma_start3A_234 = tpu.memref_slice %arg4[%dma_start3A_231, %dma_start3A_232, %dma_start3A_233] : memref<960x8x128xf32, #tpu.memory_space<hbm>> -> memref<960x8x128xf32, #tpu.memory_space<hbm>>
    tpu.enqueue_indirect_dma source(%dma_start3A_234 : memref<960x8x128xf32, #tpu.memory_space<hbm>>) target(%arg8 : memref<32x8x128xf32, #tpu.memory_space<vmem>>) offsets(%dma_start3A_230 : memref<32xi32, #tpu.memory_space<vmem>>) semaphore(%arg14 : memref<!tpu.dma_semaphore, #tpu.memory_space<semaphore_mem>>)
    %dma_start3A_235 = arith.constant 0 : i32
    %dma_start3A_236 = arith.constant 32 : i32
    %dma_start3A_237 = tpu.memref_slice %arg7[%dma_start3A_235, %dma_start3A_236] : memref<2x128xi32, #tpu.memory_space<vmem>> -> memref<1x32xi32, #tpu.memory_space<vmem>>
    %dma_start3A_238 = tpu.memref_squeeze %dma_start3A_237 : memref<1x32xi32, #tpu.memory_space<vmem>> -> memref<32xi32, #tpu.memory_space<vmem>>
    %dma_start3A_239 = arith.constant 0 : i32
    %dma_start3A_240 = arith.constant 0 : i32
    %dma_start3A_241 = arith.constant 0 : i32
    %dma_start3A_242 = tpu.memref_slice %arg4[%dma_start3A_239, %dma_start3A_240, %dma_start3A_241] : memref<960x8x128xf32, #tpu.memory_space<hbm>> -> memref<960x8x128xf32, #tpu.memory_space<hbm>>
    tpu.enqueue_indirect_dma source(%dma_start3A_242 : memref<960x8x128xf32, #tpu.memory_space<hbm>>) target(%arg9 : memref<32x8x128xf32, #tpu.memory_space<vmem>>) offsets(%dma_start3A_238 : memref<32xi32, #tpu.memory_space<vmem>>) semaphore(%arg15 : memref<!tpu.dma_semaphore, #tpu.memory_space<semaphore_mem>>)
    %dma_start3A_243 = arith.constant 0 : i32
    %dma_start3A_244 = arith.constant 64 : i32
    %dma_start3A_245 = tpu.memref_slice %arg7[%dma_start3A_243, %dma_start3A_244] : memref<2x128xi32, #tpu.memory_space<vmem>> -> memref<1x32xi32, #tpu.memory_space<vmem>>
    %dma_start3A_246 = tpu.memref_squeeze %dma_start3A_245 : memref<1x32xi32, #tpu.memory_space<vmem>> -> memref<32xi32, #tpu.memory_space<vmem>>
    %dma_start3A_247 = arith.constant 0 : i32
    %dma_start3A_248 = arith.constant 0 : i32
    %dma_start3A_249 = arith.constant 0 : i32
    %dma_start3A_250 = tpu.memref_slice %arg4[%dma_start3A_247, %dma_start3A_248, %dma_start3A_249] : memref<960x8x128xf32, #tpu.memory_space<hbm>> -> memref<960x8x128xf32, #tpu.memory_space<hbm>>
    tpu.enqueue_indirect_dma source(%dma_start3A_250 : memref<960x8x128xf32, #tpu.memory_space<hbm>>) target(%arg10 : memref<32x8x128xf32, #tpu.memory_space<vmem>>) offsets(%dma_start3A_246 : memref<32xi32, #tpu.memory_space<vmem>>) semaphore(%arg16 : memref<!tpu.dma_semaphore, #tpu.memory_space<semaphore_mem>>)
    %dma_wait3A = arith.constant 0 : i32
    %dma_wait3A_251 = arith.constant 0 : i32
    %dma_wait3A_252 = tpu.memref_slice %arg7[%dma_wait3A, %dma_wait3A_251] : memref<2x128xi32, #tpu.memory_space<vmem>> -> memref<1x32xi32, #tpu.memory_space<vmem>>
    %dma_wait3A_253 = tpu.memref_squeeze %dma_wait3A_252 : memref<1x32xi32, #tpu.memory_space<vmem>> -> memref<32xi32, #tpu.memory_space<vmem>>
    %dma_wait3A_254 = arith.constant 0 : i32
    %dma_wait3A_255 = arith.constant 0 : i32
    %dma_wait3A_256 = arith.constant 0 : i32
    %dma_wait3A_257 = tpu.memref_slice %arg4[%dma_wait3A_254, %dma_wait3A_255, %dma_wait3A_256] : memref<960x8x128xf32, #tpu.memory_space<hbm>> -> memref<960x8x128xf32, #tpu.memory_space<hbm>>
    tpu.wait_indirect_dma semaphore(%arg14 : memref<!tpu.dma_semaphore, #tpu.memory_space<semaphore_mem>>) src(%dma_wait3A_257 : memref<960x8x128xf32, #tpu.memory_space<hbm>>) dst(%arg8 : memref<32x8x128xf32, #tpu.memory_space<vmem>>)
    %add3A_258 = arith.constant 0 : i32
    %add3A_259 = arith.addi %mul3A_32, %add3A_258 : i32
    %dma_start3A_260 = arith.constant 0 : i32
    %dma_start3A_261 = arith.constant 0 : i32
    %dma_start3A_262 = tpu.memref_slice %arg6[%add3A_259, %dma_start3A_260, %select_n3A, %dma_start3A_261] : memref<2049x8x4x128xf32, #tpu.memory_space<hbm>> -> memref<32x8x1x128xf32, #tpu.memory_space<hbm>>
    %dma_start3A_263 = tpu.memref_squeeze %dma_start3A_262 : memref<32x8x1x128xf32, #tpu.memory_space<hbm>> -> memref<32x8x128xf32, #tpu.memory_space<hbm>>
    %dma_start3A_264 = arith.constant 0 : i32
    %dma_start3A_265 = arith.constant 0 : i32
    %dma_start3A_266 = tpu.memref_slice %arg6[%add3A_259, %dma_start3A_264, %select_n3A, %dma_start3A_265] : memref<2049x8x4x128xf32, #tpu.memory_space<hbm>> -> memref<32x8x1x128xf32, #tpu.memory_space<hbm>>
    %dma_start3A_267 = tpu.memref_squeeze %dma_start3A_266 : memref<32x8x1x128xf32, #tpu.memory_space<hbm>> -> memref<32x8x128xf32, #tpu.memory_space<hbm>>
    tpu.enqueue_dma source(%arg8 : memref<32x8x128xf32, #tpu.memory_space<vmem>>) target(%dma_start3A_267 : memref<32x8x128xf32, #tpu.memory_space<hbm>>) target_semaphore(%arg17 : memref<!tpu.dma_semaphore, #tpu.memory_space<semaphore_mem>>)
    %dma_wait3A_268 = arith.constant 0 : i32
    %dma_wait3A_269 = arith.constant 0 : i32
    %dma_wait3A_270 = tpu.memref_slice %arg6[%add3A_259, %dma_wait3A_268, %select_n3A, %dma_wait3A_269] : memref<2049x8x4x128xf32, #tpu.memory_space<hbm>> -> memref<32x8x1x128xf32, #tpu.memory_space<hbm>>
    %dma_wait3A_271 = tpu.memref_squeeze %dma_wait3A_270 : memref<32x8x1x128xf32, #tpu.memory_space<hbm>> -> memref<32x8x128xf32, #tpu.memory_space<hbm>>
    %dma_wait3A_272 = arith.constant 0 : i32
    %dma_wait3A_273 = arith.constant 0 : i32
    %dma_wait3A_274 = tpu.memref_slice %arg6[%add3A_259, %dma_wait3A_272, %select_n3A, %dma_wait3A_273] : memref<2049x8x4x128xf32, #tpu.memory_space<hbm>> -> memref<32x8x1x128xf32, #tpu.memory_space<hbm>>
    %dma_wait3A_275 = tpu.memref_squeeze %dma_wait3A_274 : memref<32x8x1x128xf32, #tpu.memory_space<hbm>> -> memref<32x8x128xf32, #tpu.memory_space<hbm>>
    tpu.wait_dma2 semaphore(%arg17 : memref<!tpu.dma_semaphore, #tpu.memory_space<semaphore_mem>>) src(%arg8 : memref<32x8x128xf32, #tpu.memory_space<vmem>>) dst(%dma_wait3A_275 : memref<32x8x128xf32, #tpu.memory_space<hbm>>)
    %dma_start3A_276 = arith.constant 0 : i32
    %dma_start3A_277 = arith.constant 96 : i32
    %dma_start3A_278 = tpu.memref_slice %arg7[%dma_start3A_276, %dma_start3A_277] : memref<2x128xi32, #tpu.memory_space<vmem>> -> memref<1x32xi32, #tpu.memory_space<vmem>>
    %dma_start3A_279 = tpu.memref_squeeze %dma_start3A_278 : memref<1x32xi32, #tpu.memory_space<vmem>> -> memref<32xi32, #tpu.memory_space<vmem>>
    %dma_start3A_280 = arith.constant 0 : i32
    %dma_start3A_281 = arith.constant 0 : i32
    %dma_start3A_282 = arith.constant 0 : i32
    %dma_start3A_283 = tpu.memref_slice %arg4[%dma_start3A_280, %dma_start3A_281, %dma_start3A_282] : memref<960x8x128xf32, #tpu.memory_space<hbm>> -> memref<960x8x128xf32, #tpu.memory_space<hbm>>
    tpu.enqueue_indirect_dma source(%dma_start3A_283 : memref<960x8x128xf32, #tpu.memory_space<hbm>>) target(%arg8 : memref<32x8x128xf32, #tpu.memory_space<vmem>>) offsets(%dma_start3A_279 : memref<32xi32, #tpu.memory_space<vmem>>) semaphore(%arg14 : memref<!tpu.dma_semaphore, #tpu.memory_space<semaphore_mem>>)
    %dma_wait3A_284 = arith.constant 0 : i32
    %dma_wait3A_285 = arith.constant 32 : i32
    %dma_wait3A_286 = tpu.memref_slice %arg7[%dma_wait3A_284, %dma_wait3A_285] : memref<2x128xi32, #tpu.memory_space<vmem>> -> memref<1x32xi32, #tpu.memory_space<vmem>>
    %dma_wait3A_287 = tpu.memref_squeeze %dma_wait3A_286 : memref<1x32xi32, #tpu.memory_space<vmem>> -> memref<32xi32, #tpu.memory_space<vmem>>
    %dma_wait3A_288 = arith.constant 0 : i32
    %dma_wait3A_289 = arith.constant 0 : i32
    %dma_wait3A_290 = arith.constant 0 : i32
    %dma_wait3A_291 = tpu.memref_slice %arg4[%dma_wait3A_288, %dma_wait3A_289, %dma_wait3A_290] : memref<960x8x128xf32, #tpu.memory_space<hbm>> -> memref<960x8x128xf32, #tpu.memory_space<hbm>>
    tpu.wait_indirect_dma semaphore(%arg15 : memref<!tpu.dma_semaphore, #tpu.memory_space<semaphore_mem>>) src(%dma_wait3A_291 : memref<960x8x128xf32, #tpu.memory_space<hbm>>) dst(%arg9 : memref<32x8x128xf32, #tpu.memory_space<vmem>>)
    %add3A_292 = arith.constant 32 : i32
    %add3A_293 = arith.addi %mul3A_32, %add3A_292 : i32
    %dma_start3A_294 = arith.constant 0 : i32
    %dma_start3A_295 = arith.constant 0 : i32
    %dma_start3A_296 = tpu.memref_slice %arg6[%add3A_293, %dma_start3A_294, %select_n3A, %dma_start3A_295] : memref<2049x8x4x128xf32, #tpu.memory_space<hbm>> -> memref<32x8x1x128xf32, #tpu.memory_space<hbm>>
    %dma_start3A_297 = tpu.memref_squeeze %dma_start3A_296 : memref<32x8x1x128xf32, #tpu.memory_space<hbm>> -> memref<32x8x128xf32, #tpu.memory_space<hbm>>
    %dma_start3A_298 = arith.constant 0 : i32
    %dma_start3A_299 = arith.constant 0 : i32
    %dma_start3A_300 = tpu.memref_slice %arg6[%add3A_293, %dma_start3A_298, %select_n3A, %dma_start3A_299] : memref<2049x8x4x128xf32, #tpu.memory_space<hbm>> -> memref<32x8x1x128xf32, #tpu.memory_space<hbm>>
    %dma_start3A_301 = tpu.memref_squeeze %dma_start3A_300 : memref<32x8x1x128xf32, #tpu.memory_space<hbm>> -> memref<32x8x128xf32, #tpu.memory_space<hbm>>
    tpu.enqueue_dma source(%arg9 : memref<32x8x128xf32, #tpu.memory_space<vmem>>) target(%dma_start3A_301 : memref<32x8x128xf32, #tpu.memory_space<hbm>>) target_semaphore(%arg18 : memref<!tpu.dma_semaphore, #tpu.memory_space<semaphore_mem>>)
    %dma_wait3A_302 = arith.constant 0 : i32
    %dma_wait3A_303 = arith.constant 0 : i32
    %dma_wait3A_304 = tpu.memref_slice %arg6[%add3A_293, %dma_wait3A_302, %select_n3A, %dma_wait3A_303] : memref<2049x8x4x128xf32, #tpu.memory_space<hbm>> -> memref<32x8x1x128xf32, #tpu.memory_space<hbm>>
    %dma_wait3A_305 = tpu.memref_squeeze %dma_wait3A_304 : memref<32x8x1x128xf32, #tpu.memory_space<hbm>> -> memref<32x8x128xf32, #tpu.memory_space<hbm>>
    %dma_wait3A_306 = arith.constant 0 : i32
    %dma_wait3A_307 = arith.constant 0 : i32
    %dma_wait3A_308 = tpu.memref_slice %arg6[%add3A_293, %dma_wait3A_306, %select_n3A, %dma_wait3A_307] : memref<2049x8x4x128xf32, #tpu.memory_space<hbm>> -> memref<32x8x1x128xf32, #tpu.memory_space<hbm>>
    %dma_wait3A_309 = tpu.memref_squeeze %dma_wait3A_308 : memref<32x8x1x128xf32, #tpu.memory_space<hbm>> -> memref<32x8x128xf32, #tpu.memory_space<hbm>>
    tpu.wait_dma2 semaphore(%arg18 : memref<!tpu.dma_semaphore, #tpu.memory_space<semaphore_mem>>) src(%arg9 : memref<32x8x128xf32, #tpu.memory_space<vmem>>) dst(%dma_wait3A_309 : memref<32x8x128xf32, #tpu.memory_space<hbm>>)
    %dma_start3A_310 = arith.constant 1 : i32
    %dma_start3A_311 = arith.constant 0 : i32
    %dma_start3A_312 = tpu.memref_slice %arg7[%dma_start3A_310, %dma_start3A_311] : memref<2x128xi32, #tpu.memory_space<vmem>> -> memref<1x32xi32, #tpu.memory_space<vmem>>
    %dma_start3A_313 = tpu.memref_squeeze %dma_start3A_312 : memref<1x32xi32, #tpu.memory_space<vmem>> -> memref<32xi32, #tpu.memory_space<vmem>>
    %dma_start3A_314 = arith.constant 0 : i32
    %dma_start3A_315 = arith.constant 0 : i32
    %dma_start3A_316 = arith.constant 0 : i32
    %dma_start3A_317 = tpu.memref_slice %arg4[%dma_start3A_314, %dma_start3A_315, %dma_start3A_316] : memref<960x8x128xf32, #tpu.memory_space<hbm>> -> memref<960x8x128xf32, #tpu.memory_space<hbm>>
    tpu.enqueue_indirect_dma source(%dma_start3A_317 : memref<960x8x128xf32, #tpu.memory_space<hbm>>) target(%arg9 : memref<32x8x128xf32, #tpu.memory_space<vmem>>) offsets(%dma_start3A_313 : memref<32xi32, #tpu.memory_space<vmem>>) semaphore(%arg15 : memref<!tpu.dma_semaphore, #tpu.memory_space<semaphore_mem>>)
    %dma_wait3A_318 = arith.constant 0 : i32
    %dma_wait3A_319 = arith.constant 64 : i32
    %dma_wait3A_320 = tpu.memref_slice %arg7[%dma_wait3A_318, %dma_wait3A_319] : memref<2x128xi32, #tpu.memory_space<vmem>> -> memref<1x32xi32, #tpu.memory_space<vmem>>
    %dma_wait3A_321 = tpu.memref_squeeze %dma_wait3A_320 : memref<1x32xi32, #tpu.memory_space<vmem>> -> memref<32xi32, #tpu.memory_space<vmem>>
    %dma_wait3A_322 = arith.constant 0 : i32
    %dma_wait3A_323 = arith.constant 0 : i32
    %dma_wait3A_324 = arith.constant 0 : i32
    %dma_wait3A_325 = tpu.memref_slice %arg4[%dma_wait3A_322, %dma_wait3A_323, %dma_wait3A_324] : memref<960x8x128xf32, #tpu.memory_space<hbm>> -> memref<960x8x128xf32, #tpu.memory_space<hbm>>
    tpu.wait_indirect_dma semaphore(%arg16 : memref<!tpu.dma_semaphore, #tpu.memory_space<semaphore_mem>>) src(%dma_wait3A_325 : memref<960x8x128xf32, #tpu.memory_space<hbm>>) dst(%arg10 : memref<32x8x128xf32, #tpu.memory_space<vmem>>)
    %add3A_326 = arith.constant 64 : i32
    %add3A_327 = arith.addi %mul3A_32, %add3A_326 : i32
    %dma_start3A_328 = arith.constant 0 : i32
    %dma_start3A_329 = arith.constant 0 : i32
    %dma_start3A_330 = tpu.memref_slice %arg6[%add3A_327, %dma_start3A_328, %select_n3A, %dma_start3A_329] : memref<2049x8x4x128xf32, #tpu.memory_space<hbm>> -> memref<32x8x1x128xf32, #tpu.memory_space<hbm>>
    %dma_start3A_331 = tpu.memref_squeeze %dma_start3A_330 : memref<32x8x1x128xf32, #tpu.memory_space<hbm>> -> memref<32x8x128xf32, #tpu.memory_space<hbm>>
    %dma_start3A_332 = arith.constant 0 : i32
    %dma_start3A_333 = arith.constant 0 : i32
    %dma_start3A_334 = tpu.memref_slice %arg6[%add3A_327, %dma_start3A_332, %select_n3A, %dma_start3A_333] : memref<2049x8x4x128xf32, #tpu.memory_space<hbm>> -> memref<32x8x1x128xf32, #tpu.memory_space<hbm>>
    %dma_start3A_335 = tpu.memref_squeeze %dma_start3A_334 : memref<32x8x1x128xf32, #tpu.memory_space<hbm>> -> memref<32x8x128xf32, #tpu.memory_space<hbm>>
    tpu.enqueue_dma source(%arg10 : memref<32x8x128xf32, #tpu.memory_space<vmem>>) target(%dma_start3A_335 : memref<32x8x128xf32, #tpu.memory_space<hbm>>) target_semaphore(%arg19 : memref<!tpu.dma_semaphore, #tpu.memory_space<semaphore_mem>>)
    %dma_wait3A_336 = arith.constant 0 : i32
    %dma_wait3A_337 = arith.constant 0 : i32
    %dma_wait3A_338 = tpu.memref_slice %arg6[%add3A_327, %dma_wait3A_336, %select_n3A, %dma_wait3A_337] : memref<2049x8x4x128xf32, #tpu.memory_space<hbm>> -> memref<32x8x1x128xf32, #tpu.memory_space<hbm>>
    %dma_wait3A_339 = tpu.memref_squeeze %dma_wait3A_338 : memref<32x8x1x128xf32, #tpu.memory_space<hbm>> -> memref<32x8x128xf32, #tpu.memory_space<hbm>>
    %dma_wait3A_340 = arith.constant 0 : i32
    %dma_wait3A_341 = arith.constant 0 : i32
    %dma_wait3A_342 = tpu.memref_slice %arg6[%add3A_327, %dma_wait3A_340, %select_n3A, %dma_wait3A_341] : memref<2049x8x4x128xf32, #tpu.memory_space<hbm>> -> memref<32x8x1x128xf32, #tpu.memory_space<hbm>>
    %dma_wait3A_343 = tpu.memref_squeeze %dma_wait3A_342 : memref<32x8x1x128xf32, #tpu.memory_space<hbm>> -> memref<32x8x128xf32, #tpu.memory_space<hbm>>
    tpu.wait_dma2 semaphore(%arg19 : memref<!tpu.dma_semaphore, #tpu.memory_space<semaphore_mem>>) src(%arg10 : memref<32x8x128xf32, #tpu.memory_space<vmem>>) dst(%dma_wait3A_343 : memref<32x8x128xf32, #tpu.memory_space<hbm>>)
    %dma_start3A_344 = arith.constant 1 : i32
    %dma_start3A_345 = arith.constant 32 : i32
    %dma_start3A_346 = tpu.memref_slice %arg7[%dma_start3A_344, %dma_start3A_345] : memref<2x128xi32, #tpu.memory_space<vmem>> -> memref<1x32xi32, #tpu.memory_space<vmem>>
    %dma_start3A_347 = tpu.memref_squeeze %dma_start3A_346 : memref<1x32xi32, #tpu.memory_space<vmem>> -> memref<32xi32, #tpu.memory_space<vmem>>
    %dma_start3A_348 = arith.constant 0 : i32
    %dma_start3A_349 = arith.constant 0 : i32
    %dma_start3A_350 = arith.constant 0 : i32
    %dma_start3A_351 = tpu.memref_slice %arg4[%dma_start3A_348, %dma_start3A_349, %dma_start3A_350] : memref<960x8x128xf32, #tpu.memory_space<hbm>> -> memref<960x8x128xf32, #tpu.memory_space<hbm>>
    tpu.enqueue_indirect_dma source(%dma_start3A_351 : memref<960x8x128xf32, #tpu.memory_space<hbm>>) target(%arg10 : memref<32x8x128xf32, #tpu.memory_space<vmem>>) offsets(%dma_start3A_347 : memref<32xi32, #tpu.memory_space<vmem>>) semaphore(%arg16 : memref<!tpu.dma_semaphore, #tpu.memory_space<semaphore_mem>>)
    %dma_wait3A_352 = arith.constant 0 : i32
    %dma_wait3A_353 = arith.constant 96 : i32
    %dma_wait3A_354 = tpu.memref_slice %arg7[%dma_wait3A_352, %dma_wait3A_353] : memref<2x128xi32, #tpu.memory_space<vmem>> -> memref<1x32xi32, #tpu.memory_space<vmem>>
    %dma_wait3A_355 = tpu.memref_squeeze %dma_wait3A_354 : memref<1x32xi32, #tpu.memory_space<vmem>> -> memref<32xi32, #tpu.memory_space<vmem>>
    %dma_wait3A_356 = arith.constant 0 : i32
    %dma_wait3A_357 = arith.constant 0 : i32
    %dma_wait3A_358 = arith.constant 0 : i32
    %dma_wait3A_359 = tpu.memref_slice %arg4[%dma_wait3A_356, %dma_wait3A_357, %dma_wait3A_358] : memref<960x8x128xf32, #tpu.memory_space<hbm>> -> memref<960x8x128xf32, #tpu.memory_space<hbm>>
    tpu.wait_indirect_dma semaphore(%arg14 : memref<!tpu.dma_semaphore, #tpu.memory_space<semaphore_mem>>) src(%dma_wait3A_359 : memref<960x8x128xf32, #tpu.memory_space<hbm>>) dst(%arg8 : memref<32x8x128xf32, #tpu.memory_space<vmem>>)
    %add3A_360 = arith.constant 96 : i32
    %add3A_361 = arith.addi %mul3A_32, %add3A_360 : i32
    %dma_start3A_362 = arith.constant 0 : i32
    %dma_start3A_363 = arith.constant 0 : i32
    %dma_start3A_364 = tpu.memref_slice %arg6[%add3A_361, %dma_start3A_362, %select_n3A, %dma_start3A_363] : memref<2049x8x4x128xf32, #tpu.memory_space<hbm>> -> memref<32x8x1x128xf32, #tpu.memory_space<hbm>>
    %dma_start3A_365 = tpu.memref_squeeze %dma_start3A_364 : memref<32x8x1x128xf32, #tpu.memory_space<hbm>> -> memref<32x8x128xf32, #tpu.memory_space<hbm>>
    %dma_start3A_366 = arith.constant 0 : i32
    %dma_start3A_367 = arith.constant 0 : i32
    %dma_start3A_368 = tpu.memref_slice %arg6[%add3A_361, %dma_start3A_366, %select_n3A, %dma_start3A_367] : memref<2049x8x4x128xf32, #tpu.memory_space<hbm>> -> memref<32x8x1x128xf32, #tpu.memory_space<hbm>>
    %dma_start3A_369 = tpu.memref_squeeze %dma_start3A_368 : memref<32x8x1x128xf32, #tpu.memory_space<hbm>> -> memref<32x8x128xf32, #tpu.memory_space<hbm>>
    tpu.enqueue_dma source(%arg8 : memref<32x8x128xf32, #tpu.memory_space<vmem>>) target(%dma_start3A_369 : memref<32x8x128xf32, #tpu.memory_space<hbm>>) target_semaphore(%arg17 : memref<!tpu.dma_semaphore, #tpu.memory_space<semaphore_mem>>)
    %dma_wait3A_370 = arith.constant 0 : i32
    %dma_wait3A_371 = arith.constant 0 : i32
    %dma_wait3A_372 = tpu.memref_slice %arg6[%add3A_361, %dma_wait3A_370, %select_n3A, %dma_wait3A_371] : memref<2049x8x4x128xf32, #tpu.memory_space<hbm>> -> memref<32x8x1x128xf32, #tpu.memory_space<hbm>>
    %dma_wait3A_373 = tpu.memref_squeeze %dma_wait3A_372 : memref<32x8x1x128xf32, #tpu.memory_space<hbm>> -> memref<32x8x128xf32, #tpu.memory_space<hbm>>
    %dma_wait3A_374 = arith.constant 0 : i32
    %dma_wait3A_375 = arith.constant 0 : i32
    %dma_wait3A_376 = tpu.memref_slice %arg6[%add3A_361, %dma_wait3A_374, %select_n3A, %dma_wait3A_375] : memref<2049x8x4x128xf32, #tpu.memory_space<hbm>> -> memref<32x8x1x128xf32, #tpu.memory_space<hbm>>
    %dma_wait3A_377 = tpu.memref_squeeze %dma_wait3A_376 : memref<32x8x1x128xf32, #tpu.memory_space<hbm>> -> memref<32x8x128xf32, #tpu.memory_space<hbm>>
    tpu.wait_dma2 semaphore(%arg17 : memref<!tpu.dma_semaphore, #tpu.memory_space<semaphore_mem>>) src(%arg8 : memref<32x8x128xf32, #tpu.memory_space<vmem>>) dst(%dma_wait3A_377 : memref<32x8x128xf32, #tpu.memory_space<hbm>>)
    %dma_start3A_378 = arith.constant 1 : i32
    %dma_start3A_379 = arith.constant 64 : i32
    %dma_start3A_380 = tpu.memref_slice %arg7[%dma_start3A_378, %dma_start3A_379] : memref<2x128xi32, #tpu.memory_space<vmem>> -> memref<1x32xi32, #tpu.memory_space<vmem>>
    %dma_start3A_381 = tpu.memref_squeeze %dma_start3A_380 : memref<1x32xi32, #tpu.memory_space<vmem>> -> memref<32xi32, #tpu.memory_space<vmem>>
    %dma_start3A_382 = arith.constant 0 : i32
    %dma_start3A_383 = arith.constant 0 : i32
    %dma_start3A_384 = arith.constant 0 : i32
    %dma_start3A_385 = tpu.memref_slice %arg4[%dma_start3A_382, %dma_start3A_383, %dma_start3A_384] : memref<960x8x128xf32, #tpu.memory_space<hbm>> -> memref<960x8x128xf32, #tpu.memory_space<hbm>>
    tpu.enqueue_indirect_dma source(%dma_start3A_385 : memref<960x8x128xf32, #tpu.memory_space<hbm>>) target(%arg8 : memref<32x8x128xf32, #tpu.memory_space<vmem>>) offsets(%dma_start3A_381 : memref<32xi32, #tpu.memory_space<vmem>>) semaphore(%arg14 : memref<!tpu.dma_semaphore, #tpu.memory_space<semaphore_mem>>)
    %dma_wait3A_386 = arith.constant 1 : i32
    %dma_wait3A_387 = arith.constant 0 : i32
    %dma_wait3A_388 = tpu.memref_slice %arg7[%dma_wait3A_386, %dma_wait3A_387] : memref<2x128xi32, #tpu.memory_space<vmem>> -> memref<1x32xi32, #tpu.memory_space<vmem>>
    %dma_wait3A_389 = tpu.memref_squeeze %dma_wait3A_388 : memref<1x32xi32, #tpu.memory_space<vmem>> -> memref<32xi32, #tpu.memory_space<vmem>>
    %dma_wait3A_390 = arith.constant 0 : i32
    %dma_wait3A_391 = arith.constant 0 : i32
    %dma_wait3A_392 = arith.constant 0 : i32
    %dma_wait3A_393 = tpu.memref_slice %arg4[%dma_wait3A_390, %dma_wait3A_391, %dma_wait3A_392] : memref<960x8x128xf32, #tpu.memory_space<hbm>> -> memref<960x8x128xf32, #tpu.memory_space<hbm>>
    tpu.wait_indirect_dma semaphore(%arg15 : memref<!tpu.dma_semaphore, #tpu.memory_space<semaphore_mem>>) src(%dma_wait3A_393 : memref<960x8x128xf32, #tpu.memory_space<hbm>>) dst(%arg9 : memref<32x8x128xf32, #tpu.memory_space<vmem>>)
    %add3A_394 = arith.constant 128 : i32
    %add3A_395 = arith.addi %mul3A_32, %add3A_394 : i32
    %dma_start3A_396 = arith.constant 0 : i32
    %dma_start3A_397 = arith.constant 0 : i32
    %dma_start3A_398 = tpu.memref_slice %arg6[%add3A_395, %dma_start3A_396, %select_n3A, %dma_start3A_397] : memref<2049x8x4x128xf32, #tpu.memory_space<hbm>> -> memref<32x8x1x128xf32, #tpu.memory_space<hbm>>
    %dma_start3A_399 = tpu.memref_squeeze %dma_start3A_398 : memref<32x8x1x128xf32, #tpu.memory_space<hbm>> -> memref<32x8x128xf32, #tpu.memory_space<hbm>>
    %dma_start3A_400 = arith.constant 0 : i32
    %dma_start3A_401 = arith.constant 0 : i32
    %dma_start3A_402 = tpu.memref_slice %arg6[%add3A_395, %dma_start3A_400, %select_n3A, %dma_start3A_401] : memref<2049x8x4x128xf32, #tpu.memory_space<hbm>> -> memref<32x8x1x128xf32, #tpu.memory_space<hbm>>
    %dma_start3A_403 = tpu.memref_squeeze %dma_start3A_402 : memref<32x8x1x128xf32, #tpu.memory_space<hbm>> -> memref<32x8x128xf32, #tpu.memory_space<hbm>>
    tpu.enqueue_dma source(%arg9 : memref<32x8x128xf32, #tpu.memory_space<vmem>>) target(%dma_start3A_403 : memref<32x8x128xf32, #tpu.memory_space<hbm>>) target_semaphore(%arg18 : memref<!tpu.dma_semaphore, #tpu.memory_space<semaphore_mem>>)
    %dma_wait3A_404 = arith.constant 0 : i32
    %dma_wait3A_405 = arith.constant 0 : i32
    %dma_wait3A_406 = tpu.memref_slice %arg6[%add3A_395, %dma_wait3A_404, %select_n3A, %dma_wait3A_405] : memref<2049x8x4x128xf32, #tpu.memory_space<hbm>> -> memref<32x8x1x128xf32, #tpu.memory_space<hbm>>
    %dma_wait3A_407 = tpu.memref_squeeze %dma_wait3A_406 : memref<32x8x1x128xf32, #tpu.memory_space<hbm>> -> memref<32x8x128xf32, #tpu.memory_space<hbm>>
    %dma_wait3A_408 = arith.constant 0 : i32
    %dma_wait3A_409 = arith.constant 0 : i32
    %dma_wait3A_410 = tpu.memref_slice %arg6[%add3A_395, %dma_wait3A_408, %select_n3A, %dma_wait3A_409] : memref<2049x8x4x128xf32, #tpu.memory_space<hbm>> -> memref<32x8x1x128xf32, #tpu.memory_space<hbm>>
    %dma_wait3A_411 = tpu.memref_squeeze %dma_wait3A_410 : memref<32x8x1x128xf32, #tpu.memory_space<hbm>> -> memref<32x8x128xf32, #tpu.memory_space<hbm>>
    tpu.wait_dma2 semaphore(%arg18 : memref<!tpu.dma_semaphore, #tpu.memory_space<semaphore_mem>>) src(%arg9 : memref<32x8x128xf32, #tpu.memory_space<vmem>>) dst(%dma_wait3A_411 : memref<32x8x128xf32, #tpu.memory_space<hbm>>)
    %dma_start3A_412 = arith.constant 1 : i32
    %dma_start3A_413 = arith.constant 96 : i32
    %dma_start3A_414 = tpu.memref_slice %arg7[%dma_start3A_412, %dma_start3A_413] : memref<2x128xi32, #tpu.memory_space<vmem>> -> memref<1x32xi32, #tpu.memory_space<vmem>>
    %dma_start3A_415 = tpu.memref_squeeze %dma_start3A_414 : memref<1x32xi32, #tpu.memory_space<vmem>> -> memref<32xi32, #tpu.memory_space<vmem>>
    %dma_start3A_416 = arith.constant 0 : i32
    %dma_start3A_417 = arith.constant 0 : i32
    %dma_start3A_418 = arith.constant 0 : i32
    %dma_start3A_419 = tpu.memref_slice %arg4[%dma_start3A_416, %dma_start3A_417, %dma_start3A_418] : memref<960x8x128xf32, #tpu.memory_space<hbm>> -> memref<960x8x128xf32, #tpu.memory_space<hbm>>
    tpu.enqueue_indirect_dma source(%dma_start3A_419 : memref<960x8x128xf32, #tpu.memory_space<hbm>>) target(%arg9 : memref<32x8x128xf32, #tpu.memory_space<vmem>>) offsets(%dma_start3A_415 : memref<32xi32, #tpu.memory_space<vmem>>) semaphore(%arg15 : memref<!tpu.dma_semaphore, #tpu.memory_space<semaphore_mem>>)
    %dma_wait3A_420 = arith.constant 1 : i32
    %dma_wait3A_421 = arith.constant 32 : i32
    %dma_wait3A_422 = tpu.memref_slice %arg7[%dma_wait3A_420, %dma_wait3A_421] : memref<2x128xi32, #tpu.memory_space<vmem>> -> memref<1x32xi32, #tpu.memory_space<vmem>>
    %dma_wait3A_423 = tpu.memref_squeeze %dma_wait3A_422 : memref<1x32xi32, #tpu.memory_space<vmem>> -> memref<32xi32, #tpu.memory_space<vmem>>
    %dma_wait3A_424 = arith.constant 0 : i32
    %dma_wait3A_425 = arith.constant 0 : i32
    %dma_wait3A_426 = arith.constant 0 : i32
    %dma_wait3A_427 = tpu.memref_slice %arg4[%dma_wait3A_424, %dma_wait3A_425, %dma_wait3A_426] : memref<960x8x128xf32, #tpu.memory_space<hbm>> -> memref<960x8x128xf32, #tpu.memory_space<hbm>>
    tpu.wait_indirect_dma semaphore(%arg16 : memref<!tpu.dma_semaphore, #tpu.memory_space<semaphore_mem>>) src(%dma_wait3A_427 : memref<960x8x128xf32, #tpu.memory_space<hbm>>) dst(%arg10 : memref<32x8x128xf32, #tpu.memory_space<vmem>>)
    %add3A_428 = arith.constant 160 : i32
    %add3A_429 = arith.addi %mul3A_32, %add3A_428 : i32
    %dma_start3A_430 = arith.constant 0 : i32
    %dma_start3A_431 = arith.constant 0 : i32
    %dma_start3A_432 = tpu.memref_slice %arg6[%add3A_429, %dma_start3A_430, %select_n3A, %dma_start3A_431] : memref<2049x8x4x128xf32, #tpu.memory_space<hbm>> -> memref<32x8x1x128xf32, #tpu.memory_space<hbm>>
    %dma_start3A_433 = tpu.memref_squeeze %dma_start3A_432 : memref<32x8x1x128xf32, #tpu.memory_space<hbm>> -> memref<32x8x128xf32, #tpu.memory_space<hbm>>
    %dma_start3A_434 = arith.constant 0 : i32
    %dma_start3A_435 = arith.constant 0 : i32
    %dma_start3A_436 = tpu.memref_slice %arg6[%add3A_429, %dma_start3A_434, %select_n3A, %dma_start3A_435] : memref<2049x8x4x128xf32, #tpu.memory_space<hbm>> -> memref<32x8x1x128xf32, #tpu.memory_space<hbm>>
    %dma_start3A_437 = tpu.memref_squeeze %dma_start3A_436 : memref<32x8x1x128xf32, #tpu.memory_space<hbm>> -> memref<32x8x128xf32, #tpu.memory_space<hbm>>
    tpu.enqueue_dma source(%arg10 : memref<32x8x128xf32, #tpu.memory_space<vmem>>) target(%dma_start3A_437 : memref<32x8x128xf32, #tpu.memory_space<hbm>>) target_semaphore(%arg19 : memref<!tpu.dma_semaphore, #tpu.memory_space<semaphore_mem>>)
    %dma_wait3A_438 = arith.constant 1 : i32
    %dma_wait3A_439 = arith.constant 64 : i32
    %dma_wait3A_440 = tpu.memref_slice %arg7[%dma_wait3A_438, %dma_wait3A_439] : memref<2x128xi32, #tpu.memory_space<vmem>> -> memref<1x32xi32, #tpu.memory_space<vmem>>
    %dma_wait3A_441 = tpu.memref_squeeze %dma_wait3A_440 : memref<1x32xi32, #tpu.memory_space<vmem>> -> memref<32xi32, #tpu.memory_space<vmem>>
    %dma_wait3A_442 = arith.constant 0 : i32
    %dma_wait3A_443 = arith.constant 0 : i32
    %dma_wait3A_444 = arith.constant 0 : i32
    %dma_wait3A_445 = tpu.memref_slice %arg4[%dma_wait3A_442, %dma_wait3A_443, %dma_wait3A_444] : memref<960x8x128xf32, #tpu.memory_space<hbm>> -> memref<960x8x128xf32, #tpu.memory_space<hbm>>
    tpu.wait_indirect_dma semaphore(%arg14 : memref<!tpu.dma_semaphore, #tpu.memory_space<semaphore_mem>>) src(%dma_wait3A_445 : memref<960x8x128xf32, #tpu.memory_space<hbm>>) dst(%arg8 : memref<32x8x128xf32, #tpu.memory_space<vmem>>)
    %add3A_446 = arith.constant 192 : i32
    %add3A_447 = arith.addi %mul3A_32, %add3A_446 : i32
    %dma_start3A_448 = arith.constant 0 : i32
    %dma_start3A_449 = arith.constant 0 : i32
    %dma_start3A_450 = tpu.memref_slice %arg6[%add3A_447, %dma_start3A_448, %select_n3A, %dma_start3A_449] : memref<2049x8x4x128xf32, #tpu.memory_space<hbm>> -> memref<32x8x1x128xf32, #tpu.memory_space<hbm>>
    %dma_start3A_451 = tpu.memref_squeeze %dma_start3A_450 : memref<32x8x1x128xf32, #tpu.memory_space<hbm>> -> memref<32x8x128xf32, #tpu.memory_space<hbm>>
    %dma_start3A_452 = arith.constant 0 : i32
    %dma_start3A_453 = arith.constant 0 : i32
    %dma_start3A_454 = tpu.memref_slice %arg6[%add3A_447, %dma_start3A_452, %select_n3A, %dma_start3A_453] : memref<2049x8x4x128xf32, #tpu.memory_space<hbm>> -> memref<32x8x1x128xf32, #tpu.memory_space<hbm>>
    %dma_start3A_455 = tpu.memref_squeeze %dma_start3A_454 : memref<32x8x1x128xf32, #tpu.memory_space<hbm>> -> memref<32x8x128xf32, #tpu.memory_space<hbm>>
    tpu.enqueue_dma source(%arg8 : memref<32x8x128xf32, #tpu.memory_space<vmem>>) target(%dma_start3A_455 : memref<32x8x128xf32, #tpu.memory_space<hbm>>) target_semaphore(%arg17 : memref<!tpu.dma_semaphore, #tpu.memory_space<semaphore_mem>>)
    %dma_wait3A_456 = arith.constant 1 : i32
    %dma_wait3A_457 = arith.constant 96 : i32
    %dma_wait3A_458 = tpu.memref_slice %arg7[%dma_wait3A_456, %dma_wait3A_457] : memref<2x128xi32, #tpu.memory_space<vmem>> -> memref<1x32xi32, #tpu.memory_space<vmem>>
    %dma_wait3A_459 = tpu.memref_squeeze %dma_wait3A_458 : memref<1x32xi32, #tpu.memory_space<vmem>> -> memref<32xi32, #tpu.memory_space<vmem>>
    %dma_wait3A_460 = arith.constant 0 : i32
    %dma_wait3A_461 = arith.constant 0 : i32
    %dma_wait3A_462 = arith.constant 0 : i32
    %dma_wait3A_463 = tpu.memref_slice %arg4[%dma_wait3A_460, %dma_wait3A_461, %dma_wait3A_462] : memref<960x8x128xf32, #tpu.memory_space<hbm>> -> memref<960x8x128xf32, #tpu.memory_space<hbm>>
    tpu.wait_indirect_dma semaphore(%arg15 : memref<!tpu.dma_semaphore, #tpu.memory_space<semaphore_mem>>) src(%dma_wait3A_463 : memref<960x8x128xf32, #tpu.memory_space<hbm>>) dst(%arg9 : memref<32x8x128xf32, #tpu.memory_space<vmem>>)
    %add3A_464 = arith.constant 224 : i32
    %add3A_465 = arith.addi %mul3A_32, %add3A_464 : i32
    %dma_start3A_466 = arith.constant 0 : i32
    %dma_start3A_467 = arith.constant 0 : i32
    %dma_start3A_468 = tpu.memref_slice %arg6[%add3A_465, %dma_start3A_466, %select_n3A, %dma_start3A_467] : memref<2049x8x4x128xf32, #tpu.memory_space<hbm>> -> memref<32x8x1x128xf32, #tpu.memory_space<hbm>>
    %dma_start3A_469 = tpu.memref_squeeze %dma_start3A_468 : memref<32x8x1x128xf32, #tpu.memory_space<hbm>> -> memref<32x8x128xf32, #tpu.memory_space<hbm>>
    %dma_start3A_470 = arith.constant 0 : i32
    %dma_start3A_471 = arith.constant 0 : i32
    %dma_start3A_472 = tpu.memref_slice %arg6[%add3A_465, %dma_start3A_470, %select_n3A, %dma_start3A_471] : memref<2049x8x4x128xf32, #tpu.memory_space<hbm>> -> memref<32x8x1x128xf32, #tpu.memory_space<hbm>>
    %dma_start3A_473 = tpu.memref_squeeze %dma_start3A_472 : memref<32x8x1x128xf32, #tpu.memory_space<hbm>> -> memref<32x8x128xf32, #tpu.memory_space<hbm>>
    tpu.enqueue_dma source(%arg9 : memref<32x8x128xf32, #tpu.memory_space<vmem>>) target(%dma_start3A_473 : memref<32x8x128xf32, #tpu.memory_space<hbm>>) target_semaphore(%arg18 : memref<!tpu.dma_semaphore, #tpu.memory_space<semaphore_mem>>)
    %dma_wait3A_474 = arith.constant 0 : i32
    %dma_wait3A_475 = arith.constant 0 : i32
    %dma_wait3A_476 = tpu.memref_slice %arg6[%add3A_429, %dma_wait3A_474, %select_n3A, %dma_wait3A_475] : memref<2049x8x4x128xf32, #tpu.memory_space<hbm>> -> memref<32x8x1x128xf32, #tpu.memory_space<hbm>>
    %dma_wait3A_477 = tpu.memref_squeeze %dma_wait3A_476 : memref<32x8x1x128xf32, #tpu.memory_space<hbm>> -> memref<32x8x128xf32, #tpu.memory_space<hbm>>
    %dma_wait3A_478 = arith.constant 0 : i32
    %dma_wait3A_479 = arith.constant 0 : i32
    %dma_wait3A_480 = tpu.memref_slice %arg6[%add3A_429, %dma_wait3A_478, %select_n3A, %dma_wait3A_479] : memref<2049x8x4x128xf32, #tpu.memory_space<hbm>> -> memref<32x8x1x128xf32, #tpu.memory_space<hbm>>
    %dma_wait3A_481 = tpu.memref_squeeze %dma_wait3A_480 : memref<32x8x1x128xf32, #tpu.memory_space<hbm>> -> memref<32x8x128xf32, #tpu.memory_space<hbm>>
    tpu.wait_dma2 semaphore(%arg19 : memref<!tpu.dma_semaphore, #tpu.memory_space<semaphore_mem>>) src(%arg10 : memref<32x8x128xf32, #tpu.memory_space<vmem>>) dst(%dma_wait3A_481 : memref<32x8x128xf32, #tpu.memory_space<hbm>>)
    %dma_wait3A_482 = arith.constant 0 : i32
    %dma_wait3A_483 = arith.constant 0 : i32
    %dma_wait3A_484 = tpu.memref_slice %arg6[%add3A_447, %dma_wait3A_482, %select_n3A, %dma_wait3A_483] : memref<2049x8x4x128xf32, #tpu.memory_space<hbm>> -> memref<32x8x1x128xf32, #tpu.memory_space<hbm>>
    %dma_wait3A_485 = tpu.memref_squeeze %dma_wait3A_484 : memref<32x8x1x128xf32, #tpu.memory_space<hbm>> -> memref<32x8x128xf32, #tpu.memory_space<hbm>>
    %dma_wait3A_486 = arith.constant 0 : i32
    %dma_wait3A_487 = arith.constant 0 : i32
    %dma_wait3A_488 = tpu.memref_slice %arg6[%add3A_447, %dma_wait3A_486, %select_n3A, %dma_wait3A_487] : memref<2049x8x4x128xf32, #tpu.memory_space<hbm>> -> memref<32x8x1x128xf32, #tpu.memory_space<hbm>>
    %dma_wait3A_489 = tpu.memref_squeeze %dma_wait3A_488 : memref<32x8x1x128xf32, #tpu.memory_space<hbm>> -> memref<32x8x128xf32, #tpu.memory_space<hbm>>
    tpu.wait_dma2 semaphore(%arg17 : memref<!tpu.dma_semaphore, #tpu.memory_space<semaphore_mem>>) src(%arg8 : memref<32x8x128xf32, #tpu.memory_space<vmem>>) dst(%dma_wait3A_489 : memref<32x8x128xf32, #tpu.memory_space<hbm>>)
    %dma_wait3A_490 = arith.constant 0 : i32
    %dma_wait3A_491 = arith.constant 0 : i32
    %dma_wait3A_492 = tpu.memref_slice %arg6[%add3A_465, %dma_wait3A_490, %select_n3A, %dma_wait3A_491] : memref<2049x8x4x128xf32, #tpu.memory_space<hbm>> -> memref<32x8x1x128xf32, #tpu.memory_space<hbm>>
    %dma_wait3A_493 = tpu.memref_squeeze %dma_wait3A_492 : memref<32x8x1x128xf32, #tpu.memory_space<hbm>> -> memref<32x8x128xf32, #tpu.memory_space<hbm>>
    %dma_wait3A_494 = arith.constant 0 : i32
    %dma_wait3A_495 = arith.constant 0 : i32
    %dma_wait3A_496 = tpu.memref_slice %arg6[%add3A_465, %dma_wait3A_494, %select_n3A, %dma_wait3A_495] : memref<2049x8x4x128xf32, #tpu.memory_space<hbm>> -> memref<32x8x1x128xf32, #tpu.memory_space<hbm>>
    %dma_wait3A_497 = tpu.memref_squeeze %dma_wait3A_496 : memref<32x8x1x128xf32, #tpu.memory_space<hbm>> -> memref<32x8x128xf32, #tpu.memory_space<hbm>>
    tpu.wait_dma2 semaphore(%arg18 : memref<!tpu.dma_semaphore, #tpu.memory_space<semaphore_mem>>) src(%arg9 : memref<32x8x128xf32, #tpu.memory_space<vmem>>) dst(%dma_wait3A_497 : memref<32x8x128xf32, #tpu.memory_space<hbm>>)
    %lt3A_498 = arith.constant 4 : i32
    %lt3A_499 = arith.cmpi slt, %add3A, %lt3A_498 : i32
    %convert_element_type3A = arith.extui %lt3A_499 : i1 to i32
    %cond3A = arith.constant 0 : i32
    %cond3A_500 = arith.cmpi ne, %convert_element_type3A, %cond3A : i32
    scf.if %cond3A_500 {
      "tpu.region"() ({
        %run_scoped3A_546 = tpu.sem_alloc : memref<!tpu.dma_semaphore, #tpu.memory_space<semaphore_mem>>
        %dma_start3A_547 = arith.constant 0 : i32
        %dma_start3A_548 = tpu.memref_slice %arg11[%dma_start3A_547] : memref<16xi32, #tpu.memory_space<vmem>> -> memref<4xi32, #tpu.memory_space<vmem>>
        %dma_start3A_549 = arith.constant 0 : i32
        %dma_start3A_550 = tpu.memref_slice %arg11[%dma_start3A_549] : memref<16xi32, #tpu.memory_space<vmem>> -> memref<4xi32, #tpu.memory_space<vmem>>
        tpu.enqueue_dma source(%arg3 : memref<4xi32, #tpu.memory_space<hbm>>) target(%dma_start3A_550 : memref<4xi32, #tpu.memory_space<vmem>>) target_semaphore(%run_scoped3A_546 : memref<!tpu.dma_semaphore, #tpu.memory_space<semaphore_mem>>)
        %dma_wait3A_551 = arith.constant 0 : i32
        %dma_wait3A_552 = tpu.memref_slice %arg11[%dma_wait3A_551] : memref<16xi32, #tpu.memory_space<vmem>> -> memref<4xi32, #tpu.memory_space<vmem>>
        %dma_wait3A_553 = arith.constant 0 : i32
        %dma_wait3A_554 = tpu.memref_slice %arg11[%dma_wait3A_553] : memref<16xi32, #tpu.memory_space<vmem>> -> memref<4xi32, #tpu.memory_space<vmem>>
        tpu.wait_dma2 semaphore(%run_scoped3A_546 : memref<!tpu.dma_semaphore, #tpu.memory_space<semaphore_mem>>) src(%arg3 : memref<4xi32, #tpu.memory_space<hbm>>) dst(%dma_wait3A_554 : memref<4xi32, #tpu.memory_space<vmem>>)
        tpu.yield
      }) : () -> ()
      %get3A_501 = arith.constant 0 : index
      %get3A_502 = tpu.vector_load %arg11[%get3A_501] {strides = array<i32>} : memref<16xi32, #tpu.memory_space<vmem>>, vector<16xi32>,
      %get3A_503 = vector.shape_cast %get3A_502 : vector<16xi32> to vector<16xi32>
      %broadcast_in_dim3A_504 = arith.constant 1 : i32
      %broadcast_in_dim3A_505 = vector.broadcast %broadcast_in_dim3A_504 : i32 to vector<16xi32>
      %mul3A_506 = vector.broadcast %add3A : i32 to vector<16xi32>
      %mul3A_507 = arith.muli %broadcast_in_dim3A_505, %mul3A_506 : vector<16xi32>
      %broadcast_in_dim3A_508 = vector.shape_cast %mul3A_507 : vector<16xi32> to vector<16x1xi32>
      %gather3A = vector.shape_cast %broadcast_in_dim3A_508 : vector<16x1xi32> to vector<16xi32>
      %gather3A_509 = tpu.dynamic_gather %get3A_503[%gather3A] in [0] : vector<16xi32>, vector<16xi32> -> vector<16xi32>
      %iota3A = tpu.iota {dimensions = array<i32: 0>} : vector<16xi32>
      %and3A_510 = arith.constant 7 : i32
      %and3A_511 = vector.broadcast %and3A_510 : i32 to vector<16xi32>
      %and3A_512 = arith.andi %iota3A, %and3A_511 : vector<16xi32>
      %shift_right_arithmetic3A = arith.constant 3 : i32
      %shift_right_arithmetic3A_513 = vector.broadcast %shift_right_arithmetic3A : i32 to vector<16xi32>
      %shift_right_arithmetic3A_514 = arith.shrsi %gather3A_509, %shift_right_arithmetic3A_513 : vector<16xi32>
      %mul3A_515 = arith.constant 64 : i32
      %mul3A_516 = vector.broadcast %mul3A_515 : i32 to vector<16xi32>
      %mul3A_517 = arith.muli %shift_right_arithmetic3A_514, %mul3A_516 : vector<16xi32>
      %mul3A_518 = arith.constant 8 : i32
      %mul3A_519 = vector.broadcast %mul3A_518 : i32 to vector<16xi32>
      %mul3A_520 = arith.muli %and3A_512, %mul3A_519 : vector<16xi32>
      %add3A_521 = arith.addi %mul3A_517, %mul3A_520 : vector<16xi32>
      %and3A_522 = arith.constant 7 : i32
      %and3A_523 = vector.broadcast %and3A_522 : i32 to vector<16xi32>
      %and3A_524 = arith.andi %gather3A_509, %and3A_523 : vector<16xi32>
      %add3A_525 = arith.addi %add3A_521, %and3A_524 : vector<16xi32>
      %swap3A_526 = arith.constant 0 : index
      %swap3A_527 = tpu.vector_load %arg12[%swap3A_526] {strides = array<i32>} : memref<32xi32, #tpu.memory_space<vmem>>, vector<16xi32>,
      %swap3A_528 = vector.shape_cast %swap3A_527 : vector<16xi32> to vector<16xi32>
      %swap3A_529 = vector.shape_cast %add3A_525 : vector<16xi32> to vector<16xi32>
      tpu.vector_store %arg12[%swap3A_526], %swap3A_529 {strides = array<i32>} : memref<32xi32, #tpu.memory_space<vmem>>, vector<16xi32>,
      %dma_start3A_530 = arith.constant 0 : i32
      %dma_start3A_531 = arith.constant 0 : i32
      %dma_start3A_532 = tpu.memref_slice %arg13[%dma_start3A_530, %dma_start3A_531] : memref<32x128xf32, #tpu.memory_space<vmem>> -> memref<16x128xf32, #tpu.memory_space<vmem>>
      %dma_start3A_533 = arith.constant 0 : i32
      %dma_start3A_534 = tpu.memref_slice %arg12[%dma_start3A_533] : memref<32xi32, #tpu.memory_space<vmem>> -> memref<16xi32, #tpu.memory_space<vmem>>
      %dma_start3A_535 = arith.constant 0 : i32
      %dma_start3A_536 = arith.constant 0 : i32
      %dma_start3A_537 = tpu.memref_slice %arg5[%dma_start3A_535, %dma_start3A_536] : memref<512x128xf32, #tpu.memory_space<hbm>> -> memref<512x128xf32, #tpu.memory_space<hbm>>
      tpu.enqueue_indirect_dma source(%dma_start3A_537 : memref<512x128xf32, #tpu.memory_space<hbm>>) target(%dma_start3A_532 : memref<16x128xf32, #tpu.memory_space<vmem>>) offsets(%dma_start3A_534 : memref<16xi32, #tpu.memory_space<vmem>>) semaphore(%arg20 : memref<!tpu.dma_semaphore, #tpu.memory_space<semaphore_mem>>)
      %dma_wait3A_538 = arith.constant 0 : i32
      %dma_wait3A_539 = arith.constant 0 : i32
      %dma_wait3A_540 = tpu.memref_slice %arg13[%dma_wait3A_538, %dma_wait3A_539] : memref<32x128xf32, #tpu.memory_space<vmem>> -> memref<16x128xf32, #tpu.memory_space<vmem>>
      %dma_wait3A_541 = arith.constant 0 : i32
      %dma_wait3A_542 = tpu.memref_slice %arg12[%dma_wait3A_541] : memref<32xi32, #tpu.memory_space<vmem>> -> memref<16xi32, #tpu.memory_space<vmem>>
      %dma_wait3A_543 = arith.constant 0 : i32
      %dma_wait3A_544 = arith.constant 0 : i32
      %dma_wait3A_545 = tpu.memref_slice %arg5[%dma_wait3A_543, %dma_wait3A_544] : memref<512x128xf32, #tpu.memory_space<hbm>> -> memref<512x128xf32, #tpu.memory_space<hbm>>
      tpu.wait_indirect_dma semaphore(%arg20 : memref<!tpu.dma_semaphore, #tpu.memory_space<semaphore_mem>>) src(%dma_wait3A_545 : memref<512x128xf32, #tpu.memory_space<hbm>>) dst(%dma_wait3A_540 : memref<16x128xf32, #tpu.memory_space<vmem>>)
      %run_scoped3A = arith.constant 2048 : i32
      "tpu.region"() ({
        %run_scoped3A_546 = tpu.sem_alloc : memref<!tpu.dma_semaphore, #tpu.memory_space<semaphore_mem>>
        %dma_start3A_547 = arith.constant 0 : i32
        %dma_start3A_548 = arith.constant 0 : i32
        %dma_start3A_549 = tpu.memref_slice %arg13[%dma_start3A_547, %dma_start3A_548] : memref<32x128xf32, #tpu.memory_space<vmem>> -> memref<8x128xf32, #tpu.memory_space<vmem>>
        %dma_start3A_550 = arith.constant 0 : i32
        %dma_start3A_551 = arith.constant 0 : i32
        %dma_start3A_552 = tpu.memref_slice %arg6[%run_scoped3A, %dma_start3A_550, %add3A, %dma_start3A_551] : memref<2049x8x4x128xf32, #tpu.memory_space<hbm>> -> memref<1x8x1x128xf32, #tpu.memory_space<hbm>>
        %dma_start3A_553 = tpu.memref_squeeze %dma_start3A_552 : memref<1x8x1x128xf32, #tpu.memory_space<hbm>> -> memref<8x128xf32, #tpu.memory_space<hbm>>
        %dma_start3A_554 = arith.constant 0 : i32
        %dma_start3A_555 = arith.constant 0 : i32
        %dma_start3A_556 = tpu.memref_slice %arg6[%run_scoped3A, %dma_start3A_554, %add3A, %dma_start3A_555] : memref<2049x8x4x128xf32, #tpu.memory_space<hbm>> -> memref<1x8x1x128xf32, #tpu.memory_space<hbm>>
        %dma_start3A_557 = tpu.memref_squeeze %dma_start3A_556 : memref<1x8x1x128xf32, #tpu.memory_space<hbm>> -> memref<8x128xf32, #tpu.memory_space<hbm>>
        %dma_start3A_558 = arith.constant 0 : i32
        %dma_start3A_559 = arith.constant 0 : i32
        %dma_start3A_560 = tpu.memref_slice %arg13[%dma_start3A_558, %dma_start3A_559] : memref<32x128xf32, #tpu.memory_space<vmem>> -> memref<8x128xf32, #tpu.memory_space<vmem>>
        tpu.enqueue_dma source(%dma_start3A_560 : memref<8x128xf32, #tpu.memory_space<vmem>>) target(%dma_start3A_557 : memref<8x128xf32, #tpu.memory_space<hbm>>) target_semaphore(%run_scoped3A_546 : memref<!tpu.dma_semaphore, #tpu.memory_space<semaphore_mem>>)
        %dma_wait3A_561 = arith.constant 0 : i32
        %dma_wait3A_562 = arith.constant 0 : i32
        %dma_wait3A_563 = tpu.memref_slice %arg13[%dma_wait3A_561, %dma_wait3A_562] : memref<32x128xf32, #tpu.memory_space<vmem>> -> memref<8x128xf32, #tpu.memory_space<vmem>>
        %dma_wait3A_564 = arith.constant 0 : i32
        %dma_wait3A_565 = arith.constant 0 : i32
        %dma_wait3A_566 = tpu.memref_slice %arg6[%run_scoped3A, %dma_wait3A_564, %add3A, %dma_wait3A_565] : memref<2049x8x4x128xf32, #tpu.memory_space<hbm>> -> memref<1x8x1x128xf32, #tpu.memory_space<hbm>>
        %dma_wait3A_567 = tpu.memref_squeeze %dma_wait3A_566 : memref<1x8x1x128xf32, #tpu.memory_space<hbm>> -> memref<8x128xf32, #tpu.memory_space<hbm>>
        %dma_wait3A_568 = arith.constant 0 : i32
        %dma_wait3A_569 = arith.constant 0 : i32
        %dma_wait3A_570 = tpu.memref_slice %arg6[%run_scoped3A, %dma_wait3A_568, %add3A, %dma_wait3A_569] : memref<2049x8x4x128xf32, #tpu.memory_space<hbm>> -> memref<1x8x1x128xf32, #tpu.memory_space<hbm>>
        %dma_wait3A_571 = tpu.memref_squeeze %dma_wait3A_570 : memref<1x8x1x128xf32, #tpu.memory_space<hbm>> -> memref<8x128xf32, #tpu.memory_space<hbm>>
        %dma_wait3A_572 = arith.constant 0 : i32
        %dma_wait3A_573 = arith.constant 0 : i32
        %dma_wait3A_574 = tpu.memref_slice %arg13[%dma_wait3A_572, %dma_wait3A_573] : memref<32x128xf32, #tpu.memory_space<vmem>> -> memref<8x128xf32, #tpu.memory_space<vmem>>
        tpu.wait_dma2 semaphore(%run_scoped3A_546 : memref<!tpu.dma_semaphore, #tpu.memory_space<semaphore_mem>>) src(%dma_wait3A_574 : memref<8x128xf32, #tpu.memory_space<vmem>>) dst(%dma_wait3A_571 : memref<8x128xf32, #tpu.memory_space<hbm>>)
        tpu.yield
      }) : () -> ()
    } else {
    }
    return
  }
}

</mosaic_0001>

<sc_bundles>
// kernel: kernel.3.cloned.1.call-start
scs
__scs_entry_jumppad:
0x0: {  	(pc) =	sbr.rel $0x88, $3  }
0x1: {  	(tag) =	ssettag $0x0;
	lr =	simm.s32 $0x1  }
0x2: {  	[smem:$0x3F9D] =	sst lr;
	_ =	strace $0xD0000000  }
0x3: {  	_ = 	snop  }
0x4: {  	_ = 	snop  }
0x5: {  	_ = 	snop  }
0x6: {  	_ = 	snop  }
0x7: {  	_ = 	snop  }
__scs_overlays_trampoline_lowered:
0x8: {  	[smem:$0x3FAC] =	sst s0  }
0x9: {  	[smem:$0x3FAD] =	sst s1  }
0xa: {  	[smem:$0x3FAE] =	sst s2  }
0xb: {  	[smem:$0x3FAF] =	sst s3  }
0xc: {  	[smem:$0x3FB0] =	sst s4  }
0xd: {  	[smem:$0x3FB1] =	sst s5  }
0xe: {  	[smem:$0x3FB2] =	sst s6  }
0xf: {  	[smem:$0x3FB3] =	sst s7  }
0x10: {  	[smem:$0x3FB4] =	sst s8  }
0x11: {  	[smem:$0x3FB5] =	sst s9;
	s0 =	simm.s32 @!p0 $0x0  }
0x12: {  	s1 =	sld [smem:$0x3F9B];
	s0 =	simm.s32 @p0 $0x1  }
0x13: {  	[smem:$0x3FB6] =	sst s0;
	s0 =	simm.s32 @!p1 $0x0  }
0x14: {  	s2 =	sld [smem:$0x3F9A];
	s0 =	simm.s32 @p1 $0x1  }
0x15: {  	[smem:$0x3FB7] =	sst s0;
	s0 =	simm.s32 @!p2 $0x0  }
0x16: {  	s3 =	sld [smem:$0x3FDB];
	s0 =	simm.s32 @p2 $0x1  }
0x17: {  	s4 =	simm.s32 $0x1BF5;
	[smem:$0x3FB9] =	sst s0  }
0x18: {  	s0 =	sld [smem:$0x3F9C];
	_ =	swait.ge [sflag:s4], $0x0  }
0x19: {  	s7 =	sld [smem:$0x3F9D]  }
0x1a: {  	s8 =	sadd.s32 $0xFFFFE003, lr  }
0x1b: {  	s9 =	sadd.s32 $0xFFFFFEF7, lr;
	s5 =	simm.s32 $0xFFFFFFFF;
	p2 =	slt.u32 s8, $0xFFFFF086  }
0x1c: {  	p1 =	slt.u32 s9, $0xF7A;
	s5 =	simm.s32 @!p2 $0x0  }
0x1d: {  	s5 =	simm.s32 @p1 $0x1;
	p0 =	seq.s32 s7, s2  }
0x1e: {  	s7 =	smul.u32 @!p0 $0xF7A, s2;
	p2 =	seq.s32 @!p0 s5, $0x0  }
0x1f: {  	s9 =	smul.u32 $0xF7A, s1;
	s8 =	simm.s32 @!p0 $0x1BF5;
	p2 =	por !p2, p0  }
0x20: {  	[sflag:s8] =	ssyncset.s32 @!p0 $0xFFFFF086;
	s6 =	sadd.s32 @!p0 s3, s7;
	s7 =	simm.s32 @!p0 $0x108  }
0x21: {  	s3 =	sadd.s32 s3, s9;
	s6 =	sadd.s32 @!p0 $0x88, s6;
	s7 =	simm.s32 @p2 $0x1082  }
0x22: {  	[simem:s7], [sflag:s8] =	dma.local @!p0 [hbm:s6], $0xF7A  }
0x23: {  	s9 =	sor.u32 $0xD0000000, s2;
	s6 =	simm.s32 $0x108;
	_ =	swait.ge @!p0 [sflag:s8], $0x0  }
0x24: {  	s3 =	sadd.s32 $0x88, s3;
	s6 =	simm.s32 @!p1 $0x1082;
	[sflag:s4] =	ssyncset.s32 $0xFFFFF086  }
0x25: {  	[simem:s6], [sflag:s4] =	dma.local [hbm:s3], $0xF7A  }
0x26: {  	[smem:$0x3F9D] =	sst s1;
	(tag) =	ssettag s2;
	_ =	strace s9  }
0x27: {  	s1 =	sld [smem:$0x3FAD]  }
0x28: {  	s2 =	sld [smem:$0x3FAE]  }
0x29: {  	s4 =	sld [smem:$0x3FB0]  }
0x2a: {  	p0 =	seq.s32 s5, $0x0;
	s5 =	sld [smem:$0x3FB1]  }
0x2b: {  	s6 =	sld [smem:$0x3FB2]  }
0x2c: {  	s7 =	sld [smem:$0x3FB3]  }
0x2d: {  	s3 =	simm.s32 $0x108;
	s8 =	sld [smem:$0x3FB4]  }
0x2e: {  	s3 =	simm.s32 @!p0 $0x1082;
	s9 =	sld [smem:$0x3FB5]  }
0x2f: {  	lr =	sadd.s32 s0, s3;
	s0 =	sld [smem:$0x3FAC]  }
0x30: {  	s3 =	sld [smem:$0x3FAF]  }
0x31: {  	[smem:$0x3FB8] =	sst s10  }
0x32: {  	s10 =	sld [smem:$0x3FB6];
	_ =	sdelay $0x3  }
0x33: {  	p0 =	seq.s32 s10, $0x1;
	s10 =	sld [smem:$0x3FB8];
	_ =	sdelay $0x3  }
0x34: {  	[smem:$0x3FB8] =	sst s10  }
0x35: {  	s10 =	sld [smem:$0x3FB7];
	_ =	sdelay $0x3  }
0x36: {  	p1 =	seq.s32 s10, $0x1;
	s10 =	sld [smem:$0x3FB8];
	_ =	sdelay $0x3  }
0x37: {  	[smem:$0x3FB8] =	sst s10  }
0x38: {  	s10 =	sld [smem:$0x3FB9]  }
0x39: {  	_ = 	snop;
	(pc) =	sbr.ind lr, $3  }
0x3a: {  	_ = 	snop  }
0x3b: {  	_ = 	snop  }
0x3c: {  	p2 =	seq.s32 s10, $0x1;
	s10 =	sld [smem:$0x3FB8]  }
0x3d: {  	_ =	shalt  }
0x3e: {  	_ =	shalt  }
0x3f: {  	_ =	shalt  }
0x40: {  	_ =	shalt  }
0x41: {  	_ =	shalt  }
0x42: {  	_ =	shalt  }
0x43: {  	_ =	shalt  }
0x44: {  	_ =	shalt  }
0x45: {  	_ =	shalt  }
0x46: {  	_ =	shalt  }
0x47: {  	_ =	shalt  }
0x48: {  	_ =	shalt  }
0x49: {  	_ =	shalt  }
0x4a: {  	_ =	shalt  }
0x4b: {  	_ =	shalt  }
0x4c: {  	_ =	shalt  }
0x4d: {  	_ =	shalt  }
0x4e: {  	_ =	shalt  }
0x4f: {  	_ =	shalt  }
0x50: {  	_ =	shalt  }
0x51: {  	_ =	shalt  }
0x52: {  	_ =	shalt  }
0x53: {  	_ =	shalt  }
0x54: {  	_ =	shalt  }
0x55: {  	_ =	shalt  }
0x56: {  	_ =	shalt  }
0x57: {  	_ =	shalt  }
0x58: {  	_ =	shalt  }
0x59: {  	_ =	shalt  }
0x5a: {  	_ =	shalt  }
0x5b: {  	_ =	shalt  }
0x5c: {  	_ =	shalt  }
0x5d: {  	_ =	shalt  }
0x5e: {  	_ =	shalt  }
0x5f: {  	_ =	shalt  }
0x60: {  	_ =	shalt  }
0x61: {  	_ =	shalt  }
0x62: {  	_ =	shalt  }
0x63: {  	_ =	shalt  }
0x64: {  	_ =	shalt  }
0x65: {  	_ =	shalt  }
0x66: {  	_ =	shalt  }
0x67: {  	_ =	shalt  }
0x68: {  	_ =	shalt  }
0x69: {  	_ =	shalt  }
0x6a: {  	_ =	shalt  }
0x6b: {  	_ =	shalt  }
0x6c: {  	_ =	shalt  }
0x6d: {  	_ =	shalt  }
0x6e: {  	_ =	shalt  }
0x6f: {  	_ =	shalt  }
0x70: {  	_ =	shalt  }
0x71: {  	_ =	shalt  }
0x72: {  	_ =	shalt  }
0x73: {  	_ =	shalt  }
0x74: {  	_ =	shalt  }
0x75: {  	_ =	shalt  }
0x76: {  	_ =	shalt  }
0x77: {  	_ =	shalt  }
0x78: {  	_ =	shalt  }
0x79: {  	_ =	shalt  }
0x7a: {  	_ =	shalt  }
0x7b: {  	_ =	shalt  }
0x7c: {  	_ =	shalt  }
0x7d: {  	_ =	shalt  }
0x7e: {  	_ =	shalt  }
0x7f: {  	_ =	shalt  }
0x80: {  	_ =	shalt  }
0x81: {  	_ =	shalt  }
0x82: {  	_ =	shalt  }
0x83: {  	_ =	shalt  }
0x84: {  	_ =	shalt  }
0x85: {  	_ =	shalt  }
0x86: {  	_ =	shalt  }
0x87: {  	_ =	shalt  }
.Lfunc_end0:
.L_simem_size_0:
called_computation_lowered:
.L_overlay_start_0:
0x88: {  	s2 =	sld [smem:$0x3FD9]  }
0x89: {  	s3 =	sld [smem:$0x3FFE];
	_ =	sdelay $0x1  }
0x8a: {  	s1 =	srdreg.scid  }
0x8b: {  	s0 =	sand.u32 $0x1, s1  }
0x8c: {  	s17 =	sshll.u32 s0, $0xA;
	s2 =	sadd.s32 s3, s2  }
0x8d: {  	s2 =	sadd.s32 s2, s17  }
0x8e: {  	[smem:$0x3FC4] =	sst s2  }
0x8f: {  	_ = 	snop  }
0x90: {  	s2 =	sld [smem:$0x3FC9]  }
0x91: {  	s18 =	sld [smem:$0x3FC8]  }
0x92: {  	s4 =	sld [smem:$0x3FC6]  }
0x93: {  	s5 =	sld [smem:$0x3FD0];
	(tm) =	ssettm $0x1  }
0x94: {  	s6 =	sld [smem:$0x3FFB];
	_ =	sdelay $0x3  }
0x95: {  	_ =	strace s6  }
0x96: {  	s6 =	sld [smem:$0x3FFC];
	_ =	sdelay $0x3  }
0x97: {  	_ =	strace s6  }
0x98: {  	s6 =	sld [smem:$0x3FFD];
	_ =	sdelay $0x3  }
0x99: {  	_ =	strace s6  }
0x9a: {  	_ =	strace $0x8FFFFFFF  }
0x9b: {  	s19 =	sld [smem:$0x3FDB];
	_ =	sdelay $0x1  }
0x9c: {  	s7 =	simm.s32 $_scs_section_size  }
0x9d: {  	s8 =	simm.s32 $_size__tile_overlayer_lowered;
	s9 =	simm.s32 $_tile_overlayer_lowered  }
0x9e: {  	s22 =	simm.s32 $0x1BFF;
	s21 =	sshll.u32 s9, $0x1;
	s6 =	sadd.s32 s7, s19  }
0x9f: {  	s10 =	simm.s32 $0x0;
	s20 =	sshll.u32 s8, $0x1;
	s8 =	sadd.s32 s21, s6  }
0xa0: {  	[timem:s10], [sflag:s22] =	dma.local [hbm:s8], s20  }
0xa1: {  	_ =	swait.ge [sflag:s22], s20  }
0xa2: {  	s7 =	ssub.s32 $0x0, s20;
	[sflag:s22] =	ssyncset.done $0x0  }
0xa3: {  	[sflag:s22] =	ssyncadd.s32 s7;
	_ =	sdelay $0x1  }
0xa4: {  	s23 =	simm.s32 $0x1B8B  }
0xa5: {  	_ =	swait.ge [sflag:s23], $0x1  }
0xa6: {  	[sflag:s23] =	ssyncset.done $0x0  }
0xa7: {  	s25 =	simm.s32 $0x1B8E;
	s24 =	sld [smem:$0x3FFE];
	[sflag:s23] =	ssyncadd.s32 $0xFFFFFFFF  }
0xa8: {  	s26 =	simm.s32 $execute0_lowered;
	[smem:$0x3FD2] =	sst s25  }
0xa9: {  	s8 =	sshll.u32 s26, $0x1;
	_ =	strace $0x80000046;
	[dreg:$0x1] =	wrdreg $0xFFFFFFFF  }
0xaa: {  	s28 =	simm.s32 $_size_execute0_lowered;
	s6 =	sadd.s32 s6, s8;
	[dreg:$0x0] =	wrdreg $0x0  }
0xab: {  	s8 =	sshll.u32 s28, $0x1;
	[dreg:$0x2] =	wrdreg s6  }
0xac: {  	[dreg:$0x3] =	wrdreg s8  }
0xad: {  	[dreg:$0x4] =	wrdreg $0xC0  }
0xae: {  	_ =	task [dreg:s10], $0x5FFFF  }
0xaf: {  	[dreg:$0x1] =	wrdreg $0xFFFFFFFF  }
0xb0: {  	[dreg:$0x0] =	wrdreg $0x60  }
0xb1: {  	[dreg:$0x2] =	wrdreg s2  }
0xb2: {  	[dreg:$0x3] =	wrdreg s18  }
0xb3: {  	[dreg:$0x4] =	wrdreg s24  }
0xb4: {  	[dreg:$0x5] =	wrdreg s4  }
0xb5: {  	[dreg:$0x6] =	wrdreg s5  }
0xb6: {  	[dreg:$0x7] =	wrdreg $0x9  }
0xb7: {  	_ =	task.clear_ibuf [dreg:s10], $0x8FFFF;
	_ =	strace $0x90000046  }
0xb8: {  	s29 =	simm.s32 $0x9;
	_ =	strace $0x80000048  }
0xb9: {  	_ =	swait.ge [sflag:s29], $0x1  }
0xba: {  	[sflag:s29] =	ssyncadd.s32 $0xFFFFFFFF  }
0xbb: {  	_ =	strace $0x90000048  }
0xbc: {  	_ =	sfence  }
0xbd: {  	s30 =	sld [smem:$0x0];
	_ =	sdelay $0x2  }
0xbe: {  	s31 =	sshll.u32 s1, $0xD;
	s1 =	sshrl.u32 s1, $0x2  }
0xbf: {  	s3 =	sand.u32 $0x4000, s31;
	s1 =	sadd.s32 s1, s30  }
0xc0: {  	s0 =	sor.u32 s3, s0;
	s1 =	sshll.u32 s1, $0x11  }
0xc1: {  	s0 =	sor.u32 s1, s0  }
0xc2: {  	s0 =	sadd.s32 $0x8F2B, s0  }
0xc3: {  	[sflag:s0] =	ssyncadd.remote.s32 $0x1  }
0xc4: {  	_ =	sfence.sel $0xFFFF  }
0xc5: {  	[dreg:$0x0] =	wrdreg $0xFFFFFFFF;
	(pc) =	sbr.abs _section_cstart, $3  }
0xc6: {  	[dreg:$0x1] =	wrdreg $0xFFFFFFFF  }
0xc7: {  	_ =	task.clear_ibuf [dreg:s10], $0x2FFFF;
	_ =	strace $0x9FFFFFFF  }
0xc8: {  	(tm) =	ssettm $0x7FFFFFFF  }
0xc9: {  	_ =	shalt  }
tec
execute0_lowered:
.L_overlay_start_1:
0x0: {  	(tag) =	ssettag $0x1  }
0x1: {  	s3 =	rddreg [dreg:$0x0]  }
0x2: {  	s0 =	rddreg [dreg:$0x1];
	s2 =	srdreg.scid  }
0x3: {  	[dreg:$0x6] =	wrdreg s0;
	s0 =	stileid.u32  }
0x4: {  	s7 =	rddreg [dreg:$0x2];
	s23 =	sand.u32 $0x1, s2;
	s16 =	sshll.u32 s0, $0x1  }
0x5: {  	s1 =	rddreg [dreg:$0x3];
	s8 =	sor.u32 s23, s16  }
0x6: {  	s4 =	rddreg [dreg:$0x4];
	s5 =	sshll.u32 s0, $0x5;
	s17 =	sand.u32 $0x7, s8  }
0x7: {  	s5 =	sand.u32 $0x180, s5;
	s6 =	sshll.u32 s17, $0x14;
	s9 =	sshll.u32 s17, $0xA  }
0x8: {  	[dreg:$0x7] =	wrdreg s1;
	s9 =	sor.u32 s5, s9;
	s5 =	sor.u32 s5, s6  }
0x9: {  	s2 =	simm.s32 $0x0;
	s18 =	sshrl.u32 s9, $0x3;
	s5 =	sshrl.u32 s5, $0x3  }
0xa: {  	[smem:$0x7FF] =	sst s2;
	s6 =	sadd.s32 s3, s18;
	s3 =	sadd.s32 s4, s5  }
0xb: {  	_ =	strace $0x80000047;
	[dreg:$0x8] =	wrdreg s6;
	s5 =	sadd.s32 $0x4000, s3  }
0xc: {  	s19 =	sadd.s32 $0x8000, s3;
	[dreg:$0x9] =	wrdreg s5  }
0xd: {  	s20 =	sadd.s32 $0xC000, s3;
	[dreg:$0xa] =	wrdreg s19  }
0xe: {  	s21 =	sadd.s32 $0x10000, s3;
	[dreg:$0xb] =	wrdreg s20  }
0xf: {  	s22 =	sadd.s32 $0x14000, s3;
	[dreg:$0xc] =	wrdreg s21  }
0x10: {  	s24 =	sadd.s32 $0x18000, s3;
	[dreg:$0xd] =	wrdreg s22  }
0x11: {  	s26 =	sshll.u32 s8, $0x4;
	s25 =	sadd.s32 $0x1C000, s3;
	[dreg:$0xe] =	wrdreg s24  }
0x12: {  	s4 =	sadd.s32 s26, s4;
	[dreg:$0xf] =	wrdreg s25  }
0x13: {  	s4 =	sadd.s32 $0x100000, s4;
	s6 =	simm.s32 $0x8;
	s28 =	rddreg [dreg:$0x8]  }
0x14: {  	[dreg:$0x10] =	wrdreg s4;
	s4 =	simm.s32 $0x80;
	s5 =	simm.s32 $0x200  }
0x15: {  	[tilespmem:s2], [sflag:$0x8] =	stream.strided.gather [hbm4b:s28+s4], $0x100, s5, s4, $0x38;
	[tilespmem:$0x19200] =	vst v63  }
0x16: {  	_ =	swait.ge [sflag:s6], $0x100  }
0x17: {  	[sflag:s6] =	ssyncset.done $0x0  }
0x18: {  	[sflag:s6] =	ssyncadd.s32 $0xFFFFFF00  }
0x19: {  	v2 =	vld [tilespmem:$0xF0]  }
0x1a: {  	v3 =	vld [tilespmem:$0xE0]  }
0x1b: {  	v0 =	vmov s8;
	v4 =	vld [tilespmem:$0x60]  }
0x1c: {  	v1 =	vmul.u32 $0x1E, v0;
	v5 =	vld [tilespmem:$0xD0]  }
0x1d: {  	v6 =	vld [tilespmem:$0xC0]  }
0x1e: {  	v7 =	vld [tilespmem:$0xB0];
	v2 =	vadd.s32 v1, v2  }
0x1f: {  	v8 =	vld [tilespmem:$0x90];
	v3 =	vadd.s32 v1, v3;
	[tilespmem:$0xF0] =	vst v2  }
0x20: {  	v57 =	vld [tilespmem:$0x80];
	v2 =	vadd.s32 v1, v4;
	[tilespmem:$0xE0] =	vst v3  }
0x21: {  	v3 =	vadd.s32 v1, v5;
	[tilespmem:$0x60] =	vst v2;
	v2 =	vld [tilespmem:$0x70]  }
0x22: {  	v6 =	vadd.s32 v1, v6;
	[tilespmem:$0xD0] =	vst v3;
	v3 =	vld [tilespmem:$0x50]  }
0x23: {  	v58 =	vld [tilespmem:$0xA0];
	v7 =	vadd.s32 v1, v7;
	[tilespmem:$0xC0] =	vst v6  }
0x24: {  	v60 =	vld [tilespmem:$0x30];
	v8 =	vadd.s32 v1, v8;
	[tilespmem:$0xB0] =	vst v7  }
0x25: {  	v59 =	vld [tilespmem:$0x40];
	v4 =	vadd.s32 v1, v57;
	[tilespmem:$0x90] =	vst v8  }
0x26: {  	v62 =	vld [tilespmem:$0x10];
	[tilespmem:$0x80] =	vst v4;
	v2 =	vadd.s32 v1, v2  }
0x27: {  	v61 =	vld [tilespmem:$0x20];
	v3 =	vadd.s32 v1, v3;
	[tilespmem:$0x70] =	vst v2  }
0x28: {  	v63 =	vld [tilespmem:$0x0];
	v2 =	vadd.s32 v1, v58;
	[tilespmem:$0x50] =	vst v3  }
0x29: {  	v3 =	vadd.s32 v1, v60;
	[tilespmem:$0xA0] =	vst v2  }
0x2a: {  	v2 =	vadd.s32 v1, v59;
	[tilespmem:$0x30] =	vst v3  }
0x2b: {  	v3 =	vadd.s32 v1, v62;
	[tilespmem:$0x40] =	vst v2  }
0x2c: {  	v2 =	vadd.s32 v1, v61;
	[tilespmem:$0x10] =	vst v3  }
0x2d: {  	[tilespmem:$0x20] =	vst v2;
	v2 =	vadd.s32 v1, v63  }
0x2e: {  	s7 =	sadd.s32 $0x400, s7;
	s8 =	simm.s32 $0x20;
	s9 =	simm.s32 $0x100;
	[tilespmem:$0x0] =	vst v2  }
0x2f: {  	[tilespmem:s9], [sflag:$0x1] =	stream.indirect.gather [hbm4b:s7+s8], $0x400, s2, s8, $0xb8;
	[tilespmem:$0x19200] =	vst v63  }
0x30: {  	s10 =	simm.s32 $0x8100  }
0x31: {  	[tilespmem:s10], [sflag:$0x2] =	stream.indirect.gather [hbm4b:s7+s8], $0x400, s8, s8, $0xb8;
	[tilespmem:$0x19200] =	vst v63  }
0x32: {  	s11 =	simm.s32 $0x40;
	s12 =	simm.s32 $0x10100;
	s13 =	simm.s32 $0x1  }
0x33: {  	[tilespmem:s12], [sflag:$0x3] =	stream.indirect.gather [hbm4b:s7+s8], $0x400, s11, s8, $0xb8;
	[tilespmem:$0x19200] =	vst v63  }
0x34: {  	_ =	swait.ge [sflag:s13], $0x8000  }
0x35: {  	[sflag:s13] =	ssyncset.done $0x0  }
0x36: {  	s14 =	simm.s32 $0x4;
	[sflag:s13] =	ssyncadd.s32 $0xFFFF8000  }
0x37: {  	[hbm4b:s3+s4] =	stream.strided.scatter [tilespmem:s9], [sflag:$0x4], $0x8000, s5, s4, $0x38;
	[tilespmem:$0x19200] =	vst v63  }
0x38: {  	_ =	swait.ge [sflag:s14], $0x8000  }
0x39: {  	[sflag:s14] =	ssyncset.done $0x0  }
0x3a: {  	s15 =	simm.s32 $0x60;
	s16 =	simm.s32 $0x2;
	[sflag:s14] =	ssyncadd.s32 $0xFFFF8000  }
0x3b: {  	[tilespmem:s9], [sflag:$0x1] =	stream.indirect.gather [hbm4b:s7+s8], $0x400, s15, s8, $0xb8;
	[tilespmem:$0x19200] =	vst v63  }
0x3c: {  	_ =	swait.ge [sflag:s16], $0x8000  }
0x3d: {  	[sflag:s16] =	ssyncset.done $0x0  }
0x3e: {  	s17 =	simm.s32 $0x5;
	s18 =	rddreg [dreg:$0x9];
	[sflag:s16] =	ssyncadd.s32 $0xFFFF8000  }
0x3f: {  	[hbm4b:s18+s4] =	stream.strided.scatter [tilespmem:s10], [sflag:$0x5], $0x8000, s5, s4, $0x38;
	[tilespmem:$0x19200] =	vst v63  }
0x40: {  	_ =	swait.ge [sflag:s17], $0x8000  }
0x41: {  	[sflag:s17] =	ssyncset.done $0x0  }
0x42: {  	s18 =	simm.s32 $0x3;
	[sflag:s17] =	ssyncadd.s32 $0xFFFF8000  }
0x43: {  	[tilespmem:s10], [sflag:$0x2] =	stream.indirect.gather [hbm4b:s7+s8], $0x400, s4, s8, $0xb8;
	[tilespmem:$0x19200] =	vst v63  }
0x44: {  	_ =	swait.ge [sflag:s18], $0x8000  }
0x45: {  	[sflag:s18] =	ssyncset.done $0x0  }
0x46: {  	s19 =	simm.s32 $0x6;
	s20 =	rddreg [dreg:$0xa];
	[sflag:s18] =	ssyncadd.s32 $0xFFFF8000  }
0x47: {  	[hbm4b:s20+s4] =	stream.strided.scatter [tilespmem:s12], [sflag:$0x6], $0x8000, s5, s4, $0x38;
	[tilespmem:$0x19200] =	vst v63  }
0x48: {  	_ =	swait.ge [sflag:s19], $0x8000  }
0x49: {  	[sflag:s19] =	ssyncset.done $0x0  }
0x4a: {  	s20 =	simm.s32 $0xA0;
	[sflag:s19] =	ssyncadd.s32 $0xFFFF8000  }
0x4b: {  	[tilespmem:s12], [sflag:$0x3] =	stream.indirect.gather [hbm4b:s7+s8], $0x400, s20, s8, $0xb8;
	[tilespmem:$0x19200] =	vst v63  }
0x4c: {  	_ =	swait.ge [sflag:s13], $0x8000  }
0x4d: {  	[sflag:s13] =	ssyncset.done $0x0  }
0x4e: {  	s21 =	rddreg [dreg:$0xb];
	[sflag:s13] =	ssyncadd.s32 $0xFFFF8000  }
0x4f: {  	[hbm4b:s21+s4] =	stream.strided.scatter [tilespmem:s9], [sflag:$0x4], $0x8000, s5, s4, $0x38;
	[tilespmem:$0x19200] =	vst v63  }
0x50: {  	_ =	swait.ge [sflag:s14], $0x8000  }
0x51: {  	[sflag:s14] =	ssyncset.done $0x0  }
0x52: {  	s21 =	simm.s32 $0xC0;
	[sflag:s14] =	ssyncadd.s32 $0xFFFF8000  }
0x53: {  	[tilespmem:s9], [sflag:$0x1] =	stream.indirect.gather [hbm4b:s7+s8], $0x400, s21, s8, $0xb8;
	[tilespmem:$0x19200] =	vst v63  }
0x54: {  	_ =	swait.ge [sflag:s16], $0x8000  }
0x55: {  	[sflag:s16] =	ssyncset.done $0x0  }
0x56: {  	s22 =	rddreg [dreg:$0xc];
	[sflag:s16] =	ssyncadd.s32 $0xFFFF8000  }
0x57: {  	[hbm4b:s22+s4] =	stream.strided.scatter [tilespmem:s10], [sflag:$0x5], $0x8000, s5, s4, $0x38;
	[tilespmem:$0x19200] =	vst v63  }
0x58: {  	_ =	swait.ge [sflag:s17], $0x8000  }
0x59: {  	[sflag:s17] =	ssyncset.done $0x0  }
0x5a: {  	s22 =	simm.s32 $0xE0;
	[sflag:s17] =	ssyncadd.s32 $0xFFFF8000  }
0x5b: {  	[tilespmem:s10], [sflag:$0x2] =	stream.indirect.gather [hbm4b:s7+s8], $0x400, s22, s8, $0xb8;
	[tilespmem:$0x19200] =	vst v63  }
0x5c: {  	_ =	swait.ge [sflag:s18], $0x8000  }
0x5d: {  	[sflag:s18] =	ssyncset.done $0x0  }
0x5e: {  	s24 =	rddreg [dreg:$0xd];
	[sflag:s18] =	ssyncadd.s32 $0xFFFF8000  }
0x5f: {  	[hbm4b:s24+s4] =	stream.strided.scatter [tilespmem:s12], [sflag:$0x6], $0x8000, s5, s4, $0x38;
	[tilespmem:$0x19200] =	vst v63  }
0x60: {  	_ =	swait.ge [sflag:s13], $0x8000  }
0x61: {  	[sflag:s13] =	ssyncset.done $0x0  }
0x62: {  	s29 =	rddreg [dreg:$0xe];
	[sflag:s13] =	ssyncadd.s32 $0xFFFF8000  }
0x63: {  	[hbm4b:s29+s4] =	stream.strided.scatter [tilespmem:s9], [sflag:$0x4], $0x8000, s5, s4, $0x38;
	[tilespmem:$0x19200] =	vst v63  }
0x64: {  	_ =	swait.ge [sflag:s16], $0x8000  }
0x65: {  	[sflag:s16] =	ssyncset.done $0x0  }
0x66: {  	s30 =	rddreg [dreg:$0xf];
	[sflag:s16] =	ssyncadd.s32 $0xFFFF8000  }
0x67: {  	[hbm4b:s30+s4] =	stream.strided.scatter [tilespmem:s10], [sflag:$0x5], $0x8000, s5, s4, $0x38;
	[tilespmem:$0x19200] =	vst v63  }
0x68: {  	_ =	swait.ge [sflag:s19], $0x8000  }
0x69: {  	[sflag:s19] =	ssyncset.done $0x0  }
0x6a: {  	[sflag:s19] =	ssyncadd.s32 $0xFFFF8000  }
0x6b: {  	_ =	swait.ge [sflag:s14], $0x8000  }
0x6c: {  	[sflag:s14] =	ssyncset.done $0x0  }
0x6d: {  	[sflag:s14] =	ssyncadd.s32 $0xFFFF8000  }
0x6e: {  	p0 =	sgt.u32 s0, $0x1;
	s23 =	ssub.s32 $0x2, s23;
	_ =	swait.ge [sflag:s17], $0x8000  }
0x6f: {  	s31 =	sshrl.u32 s23, $0x1;
	s25 =	simm.s32 @!p0 $0x18100;
	[sflag:s17] =	ssyncset.done $0x0  }
0x70: {  	s24 =	simm.s32 @!p0 $0x0;
	s26 =	rddreg [dreg:$0x6];
	[sflag:s17] =	ssyncadd.s32 $0xFFFF8000  }
0x71: {  	[tilespmem:s25], [sflag:$0x8] =	stream.linear.gather @!p0 [hbm4b:s26+s24], $0x4, $0x38;
	[tilespmem:$0x19200] =	vst v63  }
0x72: {  	s26 =	ssub.s32 s23, s31  }
0x73: {  	s26 =	smax.u32 s26, $0x1  }
0x74: {  	s26 =	sadd.s32 $0xFFFFFFFF, s26  }
0x75: {  	p1 =	sne.s32 s26, $0x0  }
.Ltmp0:
0x76: {  	s23 =	simm.s32 @!p0 $0x8;
	(pc) =	sbr.rel @!p1 .LBB2_2-.Ltmp0, $4  }
0x77: {  	_ =	swait.ge @!p0 [sflag:s23], $0x4  }
0x78: {  	[sflag:s23] =	ssyncset.done @!p0 $0x0  }
0x79: {  	[sflag:s23] =	ssyncadd.s32 @!p0 $0xFFFFFFFC  }
0x7a: {  	v2 =	vld @!p0 [tilespmem:$0x18100]  }
.LBB2_1:
0x7b: {  	_ =	sdelay $0x3  }
0x7c: {  	v2 =	vperm.xlane @!p0 v2, v0  }
0x7d: {  	v3 =	vlaneseq.u32 @!p0  }
0x7e: {  	v3 =	vand.u32 @!p0 $0x7, v3;
	v4 =	vshll.u32 @!p0 v2, $0x3  }
0x7f: {  	v3 =	vmul.u32 @!p0 $0x8, v3;
	v2 =	vand.u32 @!p0 $0x7, v2;
	v4 =	vand.u32 @!p0 $0xFFFFFFC0, v4  }
0x80: {  	v2 =	vor.u32 @!p0 v4, v2  }
0x81: {  	s28 =	rddreg [dreg:$0x7];
	s29 =	simm.s32 @!p0 $0x7;
	v2 =	vor.u32 @!p0 v3, v2  }
0x82: {  	s30 =	simm.s32 @!p0 $0x10;
	s31 =	simm.s32 @!p0 $0x18180;
	s1 =	simm.s32 @!p0 $0x18200;
	[tilespmem:$0x18180] =	vst @!p0 v2  }
0x83: {  	[tilespmem:s1], [sflag:$0x7] =	stream.indirect.gather @!p0 [hbm4b:s28+s30], $0x80, s31, s30, $0xb8;
	[tilespmem:$0x19200] =	vst v63  }
0x84: {  	_ =	swait.ge @!p0 [sflag:s29], $0x800  }
0x85: {  	s30 =	simm.s32 @!p0 $0x200;
	[sflag:s29] =	ssyncset.done @!p0 $0x0  }
0x86: {  	s28 =	rddreg [dreg:$0x10];
	[sflag:s29] =	ssyncadd.s32 @!p0 $0xFFFFF800;
	s29 =	simm.s32 @!p0 $0x80  }
0x87: {  	[hbm4b:s28+s29] =	stream.strided.scatter @!p0 [tilespmem:s1], [sflag:$0x8], $0x400, s30, s29, $0x38;
	[tilespmem:$0x19200] =	vst v63  }
0x88: {  	_ =	swait.ge @!p0 [sflag:s23], $0x400  }
0x89: {  	[sflag:s23] =	ssyncset.done @!p0 $0x0  }
0x8a: {  	s28 =	rddreg [dreg:$0x8];
	[sflag:s23] =	ssyncadd.s32 @!p0 $0xFFFFFC00  }
0x8b: {  	[tilespmem:s2], [sflag:$0x8] =	stream.strided.gather [hbm4b:s28+s4], $0x100, s5, s4, $0x38;
	[tilespmem:$0x19200] =	vst v63  }
0x8c: {  	_ =	swait.ge [sflag:s6], $0x100  }
0x8d: {  	[sflag:s6] =	ssyncset.done $0x0  }
0x8e: {  	[sflag:s6] =	ssyncadd.s32 $0xFFFFFF00  }
0x8f: {  	v2 =	vld [tilespmem:$0xF0]  }
0x90: {  	v3 =	vld [tilespmem:$0xE0]  }
0x91: {  	v56 =	vld [tilespmem:$0x60]  }
0x92: {  	v5 =	vld [tilespmem:$0xD0]  }
0x93: {  	v6 =	vld [tilespmem:$0xC0]  }
0x94: {  	v7 =	vld [tilespmem:$0xB0];
	v2 =	vadd.s32 v1, v2  }
0x95: {  	v8 =	vld [tilespmem:$0x90];
	v3 =	vadd.s32 v1, v3;
	[tilespmem:$0xF0] =	vst v2  }
0x96: {  	v57 =	vld [tilespmem:$0x80];
	v2 =	vadd.s32 v1, v56;
	[tilespmem:$0xE0] =	vst v3  }
0x97: {  	v3 =	vadd.s32 v1, v5;
	[tilespmem:$0x60] =	vst v2;
	v2 =	vld [tilespmem:$0x70]  }
0x98: {  	v6 =	vadd.s32 v1, v6;
	[tilespmem:$0xD0] =	vst v3;
	v3 =	vld [tilespmem:$0x50]  }
0x99: {  	v58 =	vld [tilespmem:$0xA0];
	v7 =	vadd.s32 v1, v7;
	[tilespmem:$0xC0] =	vst v6  }
0x9a: {  	v60 =	vld [tilespmem:$0x30];
	v8 =	vadd.s32 v1, v8;
	[tilespmem:$0xB0] =	vst v7  }
0x9b: {  	v59 =	vld [tilespmem:$0x40];
	v4 =	vadd.s32 v1, v57;
	[tilespmem:$0x90] =	vst v8  }
0x9c: {  	v62 =	vld [tilespmem:$0x10];
	[tilespmem:$0x80] =	vst v4;
	v2 =	vadd.s32 v1, v2  }
0x9d: {  	v61 =	vld [tilespmem:$0x20];
	v3 =	vadd.s32 v1, v3;
	[tilespmem:$0x70] =	vst v2  }
0x9e: {  	v63 =	vld [tilespmem:$0x0];
	v2 =	vadd.s32 v1, v58;
	[tilespmem:$0x50] =	vst v3  }
0x9f: {  	v3 =	vadd.s32 v1, v60;
	[tilespmem:$0xA0] =	vst v2  }
0xa0: {  	v2 =	vadd.s32 v1, v59;
	[tilespmem:$0x30] =	vst v3  }
0xa1: {  	v3 =	vadd.s32 v1, v62;
	[tilespmem:$0x40] =	vst v2  }
0xa2: {  	v2 =	vadd.s32 v1, v61;
	[tilespmem:$0x10] =	vst v3  }
0xa3: {  	[tilespmem:$0x20] =	vst v2;
	v2 =	vadd.s32 v1, v63  }
0xa4: {  	[tilespmem:$0x0] =	vst v2  }
0xa5: {  	[tilespmem:s9], [sflag:$0x1] =	stream.indirect.gather [hbm4b:s7+s8], $0x400, s2, s8, $0xb8;
	[tilespmem:$0x19200] =	vst v63  }
0xa6: {  	_ = 	snop  }
0xa7: {  	[tilespmem:s10], [sflag:$0x2] =	stream.indirect.gather [hbm4b:s7+s8], $0x400, s8, s8, $0xb8;
	[tilespmem:$0x19200] =	vst v63  }
0xa8: {  	_ = 	snop  }
0xa9: {  	[tilespmem:s12], [sflag:$0x3] =	stream.indirect.gather [hbm4b:s7+s8], $0x400, s11, s8, $0xb8;
	[tilespmem:$0x19200] =	vst v63  }
0xaa: {  	_ =	swait.ge [sflag:s13], $0x8000  }
0xab: {  	[sflag:s13] =	ssyncset.done $0x0  }
0xac: {  	[sflag:s13] =	ssyncadd.s32 $0xFFFF8000  }
0xad: {  	[hbm4b:s3+s4] =	stream.strided.scatter [tilespmem:s9], [sflag:$0x4], $0x8000, s5, s4, $0x38;
	[tilespmem:$0x19200] =	vst v63  }
0xae: {  	_ =	swait.ge [sflag:s14], $0x8000  }
0xaf: {  	[sflag:s14] =	ssyncset.done $0x0  }
0xb0: {  	[sflag:s14] =	ssyncadd.s32 $0xFFFF8000  }
0xb1: {  	[tilespmem:s9], [sflag:$0x1] =	stream.indirect.gather [hbm4b:s7+s8], $0x400, s15, s8, $0xb8;
	[tilespmem:$0x19200] =	vst v63  }
0xb2: {  	_ =	swait.ge [sflag:s16], $0x8000  }
0xb3: {  	[sflag:s16] =	ssyncset.done $0x0  }
0xb4: {  	s29 =	rddreg [dreg:$0x9];
	[sflag:s16] =	ssyncadd.s32 $0xFFFF8000  }
0xb5: {  	[hbm4b:s29+s4] =	stream.strided.scatter [tilespmem:s10], [sflag:$0x5], $0x8000, s5, s4, $0x38;
	[tilespmem:$0x19200] =	vst v63  }
0xb6: {  	_ =	swait.ge [sflag:s17], $0x8000  }
0xb7: {  	[sflag:s17] =	ssyncset.done $0x0  }
0xb8: {  	[sflag:s17] =	ssyncadd.s32 $0xFFFF8000  }
0xb9: {  	[tilespmem:s10], [sflag:$0x2] =	stream.indirect.gather [hbm4b:s7+s8], $0x400, s4, s8, $0xb8;
	[tilespmem:$0x19200] =	vst v63  }
0xba: {  	_ =	swait.ge [sflag:s18], $0x8000  }
0xbb: {  	[sflag:s18] =	ssyncset.done $0x0  }
0xbc: {  	s30 =	rddreg [dreg:$0xa];
	[sflag:s18] =	ssyncadd.s32 $0xFFFF8000  }
0xbd: {  	[hbm4b:s30+s4] =	stream.strided.scatter [tilespmem:s12], [sflag:$0x6], $0x8000, s5, s4, $0x38;
	[tilespmem:$0x19200] =	vst v63  }
0xbe: {  	_ =	swait.ge [sflag:s19], $0x8000  }
0xbf: {  	[sflag:s19] =	ssyncset.done $0x0  }
0xc0: {  	[sflag:s19] =	ssyncadd.s32 $0xFFFF8000  }
0xc1: {  	[tilespmem:s12], [sflag:$0x3] =	stream.indirect.gather [hbm4b:s7+s8], $0x400, s20, s8, $0xb8;
	[tilespmem:$0x19200] =	vst v63  }
0xc2: {  	_ =	swait.ge [sflag:s13], $0x8000  }
0xc3: {  	[sflag:s13] =	ssyncset.done $0x0  }
0xc4: {  	s31 =	rddreg [dreg:$0xb];
	[sflag:s13] =	ssyncadd.s32 $0xFFFF8000  }
0xc5: {  	[hbm4b:s31+s4] =	stream.strided.scatter [tilespmem:s9], [sflag:$0x4], $0x8000, s5, s4, $0x38;
	[tilespmem:$0x19200] =	vst v63  }
0xc6: {  	_ =	swait.ge [sflag:s14], $0x8000  }
0xc7: {  	[sflag:s14] =	ssyncset.done $0x0  }
0xc8: {  	[sflag:s14] =	ssyncadd.s32 $0xFFFF8000  }
0xc9: {  	[tilespmem:s9], [sflag:$0x1] =	stream.indirect.gather [hbm4b:s7+s8], $0x400, s21, s8, $0xb8;
	[tilespmem:$0x19200] =	vst v63  }
0xca: {  	_ =	swait.ge [sflag:s16], $0x8000  }
0xcb: {  	[sflag:s16] =	ssyncset.done $0x0  }
0xcc: {  	s28 =	rddreg [dreg:$0xc];
	[sflag:s16] =	ssyncadd.s32 $0xFFFF8000  }
0xcd: {  	[hbm4b:s28+s4] =	stream.strided.scatter [tilespmem:s10], [sflag:$0x5], $0x8000, s5, s4, $0x38;
	[tilespmem:$0x19200] =	vst v63  }
0xce: {  	_ =	swait.ge [sflag:s17], $0x8000  }
0xcf: {  	[sflag:s17] =	ssyncset.done $0x0  }
0xd0: {  	[sflag:s17] =	ssyncadd.s32 $0xFFFF8000  }
0xd1: {  	[tilespmem:s10], [sflag:$0x2] =	stream.indirect.gather [hbm4b:s7+s8], $0x400, s22, s8, $0xb8;
	[tilespmem:$0x19200] =	vst v63  }
0xd2: {  	_ =	swait.ge [sflag:s18], $0x8000  }
0xd3: {  	[sflag:s18] =	ssyncset.done $0x0  }
0xd4: {  	s29 =	rddreg [dreg:$0xd];
	[sflag:s18] =	ssyncadd.s32 $0xFFFF8000  }
0xd5: {  	[hbm4b:s29+s4] =	stream.strided.scatter [tilespmem:s12], [sflag:$0x6], $0x8000, s5, s4, $0x38;
	[tilespmem:$0x19200] =	vst v63  }
0xd6: {  	_ =	swait.ge [sflag:s13], $0x8000  }
0xd7: {  	[sflag:s13] =	ssyncset.done $0x0  }
0xd8: {  	s30 =	rddreg [dreg:$0xe];
	[sflag:s13] =	ssyncadd.s32 $0xFFFF8000  }
0xd9: {  	[hbm4b:s30+s4] =	stream.strided.scatter [tilespmem:s9], [sflag:$0x4], $0x8000, s5, s4, $0x38;
	[tilespmem:$0x19200] =	vst v63  }
0xda: {  	_ =	swait.ge [sflag:s16], $0x8000  }
0xdb: {  	[sflag:s16] =	ssyncset.done $0x0  }
0xdc: {  	s31 =	rddreg [dreg:$0xf];
	[sflag:s16] =	ssyncadd.s32 $0xFFFF8000  }
0xdd: {  	[hbm4b:s31+s4] =	stream.strided.scatter [tilespmem:s10], [sflag:$0x5], $0x8000, s5, s4, $0x38;
	[tilespmem:$0x19200] =	vst v63  }
0xde: {  	_ =	swait.ge [sflag:s19], $0x8000  }
0xdf: {  	[sflag:s19] =	ssyncset.done $0x0  }
0xe0: {  	[sflag:s19] =	ssyncadd.s32 $0xFFFF8000  }
0xe1: {  	_ =	swait.ge [sflag:s14], $0x8000  }
0xe2: {  	[sflag:s14] =	ssyncset.done $0x0  }
0xe3: {  	[sflag:s14] =	ssyncadd.s32 $0xFFFF8000  }
0xe4: {  	_ =	swait.ge [sflag:s17], $0x8000  }
0xe5: {  	s26 =	sadd.s32 $0xFFFFFFFF, s26;
	[sflag:s17] =	ssyncset.done $0x0  }
0xe6: {  	p1 =	sne.s32 s26, $0x0;
	s1 =	rddreg [dreg:$0x6];
	[sflag:s17] =	ssyncadd.s32 $0xFFFF8000  }
0xe7: {  	[tilespmem:s25], [sflag:$0x8] =	stream.linear.gather @!p0 [hbm4b:s1+s24], $0x4, $0x38;
	[tilespmem:$0x19200] =	vst v63  }
.Ltmp1:
0xe8: {  	_ = 	snop;
	(pc) =	sbr.rel @p1 .LBB2_1-.Ltmp1, $4  }
0xe9: {  	_ =	swait.ge @!p0 [sflag:s23], $0x4  }
0xea: {  	[sflag:s23] =	ssyncset.done @!p0 $0x0  }
0xeb: {  	[sflag:s23] =	ssyncadd.s32 @!p0 $0xFFFFFFFC  }
0xec: {  	v2 =	vld @!p0 [tilespmem:$0x18100]  }
.LBB2_2:
0xed: {  	_ =	sdelay $0x3  }
0xee: {  	v0 =	vperm.xlane @!p0 v2, v0  }
0xef: {  	v1 =	vlaneseq.u32 @!p0  }
0xf0: {  	v1 =	vand.u32 @!p0 $0x7, v1;
	v2 =	vshll.u32 @!p0 v0, $0x3  }
0xf1: {  	v1 =	vmul.u32 @!p0 $0x8, v1;
	v0 =	vand.u32 @!p0 $0x7, v0;
	v2 =	vand.u32 @!p0 $0xFFFFFFC0, v2  }
0xf2: {  	v0 =	vor.u32 @!p0 v2, v0  }
0xf3: {  	s1 =	rddreg [dreg:$0x7];
	s2 =	simm.s32 @!p0 $0x7;
	v0 =	vor.u32 @!p0 v1, v0  }
0xf4: {  	s3 =	simm.s32 @!p0 $0x10;
	s4 =	simm.s32 @!p0 $0x18180;
	s5 =	simm.s32 @!p0 $0x18200;
	[tilespmem:$0x18180] =	vst @!p0 v0  }
0xf5: {  	[tilespmem:s5], [sflag:$0x7] =	stream.indirect.gather @!p0 [hbm4b:s1+s3], $0x80, s4, s3, $0xb8;
	[tilespmem:$0x19200] =	vst v63  }
0xf6: {  	_ =	swait.ge @!p0 [sflag:s2], $0x800  }
0xf7: {  	s3 =	simm.s32 @!p0 $0x200;
	[sflag:s2] =	ssyncset.done @!p0 $0x0  }
0xf8: {  	s1 =	rddreg [dreg:$0x10];
	[sflag:s2] =	ssyncadd.s32 @!p0 $0xFFFFF800;
	s2 =	simm.s32 @!p0 $0x80  }
0xf9: {  	[hbm4b:s1+s2] =	stream.strided.scatter @!p0 [tilespmem:s5], [sflag:$0x8], $0x400, s3, s2, $0x38;
	[tilespmem:$0x19200] =	vst v63  }
0xfa: {  	_ =	swait.ge @!p0 [sflag:s23], $0x400  }
0xfb: {  	[sflag:s23] =	ssyncset.done @!p0 $0x0  }
0xfc: {  	[sflag:s23] =	ssyncadd.s32 @!p0 $0xFFFFFC00  }
0xfd: {  	_ =	sfence.sel $0x180000  }
0xfe: {  	[bflag:$0x0] =	sbarrier.arrive $0xFFFF  }
0xff: {  	_ =	strace $0x90000047  }
0x100: {  	[bflag:$0x2] =	sbarrier.arrive $0xFFFF  }
0x101: {  	p0 =	sne.s32 s0, $0x0;
	s0 =	rddreg [dreg:$0x5]  }
0x102: {  	s0 =	sadd.s32 @!p0 $0x100000, s0  }
0x103: {  	[sflag:s0] =	ssyncadd.tile.s32 @!p0 $0x1;
	_ =	shalt  }
.Lfunc_end2:
_tile_overlayer_lowered:
.L_overlay_start_2:
0x104: {  	(tag) =	ssettag $0x2  }
0x105: {  	s0 =	rddreg [dreg:$0x0];
	s2 =	stileid.u32  }
0x106: {  	s1 =	rddreg [dreg:$0x1];
	p0 =	sne.s32 s2, $0x0  }
0x107: {  	s3 =	rddreg [dreg:$0x2];
	[bflag:$0x3] =	sbarrier.arrive $0xFFFF;
	s2 =	simm.s32 @!p0 $0x1C08  }
0x108: {  	[timem:s3], [sflag:s2] =	dma.local @!p0 [hbm:s0], s1  }
0x109: {  	s0 =	simm.s32 @!p0 $0x8  }
0x10a: {  	_ =	swait.ge @!p0 [sflag:s0], s1  }
0x10b: {  	s1 =	ssub.s32 @!p0 $0x0, s1;
	[sflag:s0] =	ssyncset.done @!p0 $0x0  }
0x10c: {  	[sflag:s0] =	ssyncadd.s32 @!p0 s1  }
0x10d: {  	[bflag:$0x3] =	sbarrier.arrive $0xFFFF  }
0x10e: {  	_ =	shalt  }

</sc_bundles>
